<compile_context>
chip_gen: v7x
topology: tpu7x:2x2x1
jax: 0.10.2.dev20260603
libtpu: 0.0.44.dev20260713+nightly
codegen_flags: <defaults>
</compile_context>

<pallas_src>
import functools

import jax
import jax.numpy as jnp
from jax import lax
from jax.experimental import pallas as pl
from jax.experimental.pallas import tpu as pltpu
from jax.experimental.pallas import tpu_sc as plsc

_MODEL_DIM = 64
_SCALE = 8.0

_NC = 2
_NS = 16
_NW = _NC * _NS

_CHUNK = 128
_NBUF = 4


def _make_sc_lookup(n_rows: int):
    assert n_rows % (_NW * _CHUNK) == 0
    rows_per_w = n_rows // _NW
    n_chunks = rows_per_w // _CHUNK
    assert n_chunks % _NBUF == 0
    n_outer = n_chunks // _NBUF

    mesh = plsc.VectorSubcoreMesh(
        core_axis_name="c", subcore_axis_name="s",
        num_cores=_NC, num_subcores=_NS)

    scratch = (
        [pltpu.VMEM((n_chunks, _CHUNK), jnp.int32)]
        + [pltpu.VMEM((_CHUNK, _MODEL_DIM), jnp.float32) for _ in range(2 * _NBUF)]
        + [pltpu.SemaphoreType.DMA for _ in range(2 * _NBUF)]
    )

    @functools.partial(
        pl.kernel,
        out_type=jax.ShapeDtypeStruct((n_rows, _MODEL_DIM), jnp.float32),
        mesh=mesh,
        scratch_types=scratch,
        compiler_params=pltpu.CompilerParams(use_tc_tiling_on_sc=False),
    )
    def lookup(idx_hbm, table_hbm, out_hbm, idx_v, *bufs):
        gbuf = bufs[:_NBUF]
        wbuf = bufs[_NBUF:2 * _NBUF]
        gsem = bufs[2 * _NBUF:3 * _NBUF]
        wsem = bufs[3 * _NBUF:]

        wid = lax.axis_index("s") * _NC + lax.axis_index("c")
        base = wid * rows_per_w

        pltpu.sync_copy(idx_hbm.at[wid], idx_v)

        def gather_start(g, b):
            pltpu.make_async_copy(
                table_hbm.at[idx_v.at[g]], gbuf[b], gsem[b]).start()

        def gather_wait(g, b):
            pltpu.make_async_copy(
                table_hbm.at[idx_v.at[g]], gbuf[b], gsem[b]).wait()

        def write_start(g, b):
            pltpu.make_async_copy(
                wbuf[b], out_hbm.at[pl.ds(base + g * _CHUNK, _CHUNK)],
                wsem[b]).start()

        def write_wait(g, b):
            pltpu.make_async_copy(
                wbuf[b], out_hbm.at[pl.ds(base + g * _CHUNK, _CHUNK)],
                wsem[b]).wait()

        def scale_chunk(b):
            src, dst = gbuf[b], wbuf[b]

            def row(j, _):
                for k in range(_MODEL_DIM // 16):
                    sl = pl.ds(16 * k, 16)
                    dst.at[j][sl] = src.at[j][sl] * _SCALE
                return 0

            lax.fori_loop(0, _CHUNK, row, 0, unroll=2)

        for b in range(_NBUF):
            gather_start(b, b)

        def outer(t, _):
            for b in range(_NBUF):
                g = t * _NBUF + b
                gather_wait(g, b)

                @pl.when(t > 0)
                def _():
                    write_wait(g - _NBUF, b)

                scale_chunk(b)
                write_start(g, b)

                @pl.when(g + _NBUF < n_chunks)
                def _():
                    gather_start(g + _NBUF, b)
            return 0

        lax.fori_loop(0, n_outer, outer, 0)

        for b in range(_NBUF):
            write_wait(n_chunks - _NBUF + b, b)

    return lookup


def kernel(x, table):
    orig_shape = x.shape
    n_rows = 1
    for d in orig_shape:
        n_rows *= d
    idx = x.astype(jnp.int32).reshape(_NW, n_rows // (_NW * _CHUNK), _CHUNK)
    out = _make_sc_lookup(n_rows)(idx, table)
    return out.reshape(*orig_shape, _MODEL_DIM)

# --- scband reference (transcript-rebuilt; emitter-appended) ---
"""Pipeline reference for scband-token-embedding-88184268521880 (READ-ONLY COPY).

The authoritative reference and input builder live on the scoring server;
editing this copy changes nothing except your own understanding.
"""

import jax, jax.numpy as jnp
import numpy as np

VOCAB_SIZE = 1000000
MODEL_DIM = 64


def setup_inputs(seed: int = 0) -> dict:
    key = jax.random.key(seed)
    k_table, k_idx = jax.random.split(key)
    table = jax.random.normal(k_table, (VOCAB_SIZE, MODEL_DIM), dtype=jnp.float32)
    x = jax.random.randint(k_idx, (4096, 200), 0, VOCAB_SIZE, dtype=jnp.int64)
    return {"x": x, "table": table}


def reference(x, table):
    # TokenEmbedding.forward: embedding(x.long()) * sqrt(model_dim)
    emb = jnp.take(table, x, axis=0)
    scale = jnp.sqrt(jnp.float32(MODEL_DIM))
    return emb * scale

if __name__ == "__main__":
    import jax
    _d = setup_inputs()
    print(jax.jit(kernel)(*tuple(_d.values())))

</pallas_src>

<mosaic_0001>
#map = affine_map<(d0, d1) -> (0, 0, 0)>
#map1 = affine_map<(d0, d1) -> (0, 0)>
module attributes {stable_mosaic.version = 14 : i64} {
  func.func @lookup(%arg0: i32, %arg1: i32, %arg2: memref<32x200x128xi32, #tpu.memory_space<hbm>>, %arg3: memref<1000000x64xf32, #tpu.memory_space<hbm>>, %arg4: memref<819200x64xf32, #tpu.memory_space<hbm>>, %arg5: memref<200x128xi32, #tpu.memory_space<vmem>>, %arg6: memref<128x64xf32, #tpu.memory_space<vmem>>, %arg7: memref<128x64xf32, #tpu.memory_space<vmem>>, %arg8: memref<128x64xf32, #tpu.memory_space<vmem>>, %arg9: memref<128x64xf32, #tpu.memory_space<vmem>>, %arg10: memref<128x64xf32, #tpu.memory_space<vmem>>, %arg11: memref<128x64xf32, #tpu.memory_space<vmem>>, %arg12: memref<128x64xf32, #tpu.memory_space<vmem>>, %arg13: memref<128x64xf32, #tpu.memory_space<vmem>>, %arg14: memref<!tpu.dma_semaphore, #tpu.memory_space<semaphore_mem>>, %arg15: memref<!tpu.dma_semaphore, #tpu.memory_space<semaphore_mem>>, %arg16: memref<!tpu.dma_semaphore, #tpu.memory_space<semaphore_mem>>, %arg17: memref<!tpu.dma_semaphore, #tpu.memory_space<semaphore_mem>>, %arg18: memref<!tpu.dma_semaphore, #tpu.memory_space<semaphore_mem>>, %arg19: memref<!tpu.dma_semaphore, #tpu.memory_space<semaphore_mem>>, %arg20: memref<!tpu.dma_semaphore, #tpu.memory_space<semaphore_mem>>, %arg21: memref<!tpu.dma_semaphore, #tpu.memory_space<semaphore_mem>>) attributes {dimension_semantics = [#tpu.dimension_semantics<core_parallel>, #tpu.dimension_semantics<subcore_parallel>], iteration_bounds = array<i64: 2, 16>, scalar_prefetch = 0 : i64, scratch_operands = 17 : i64, tpu.core_type = #tpu.core_type<sc_vector_subcore>, window_params = [{transform_indices = #map}, {transform_indices = #map1}, {transform_indices = #map1}]} {
    %mul3A = arith.constant 2 : i32
    %mul3A_0 = arith.muli %arg1, %mul3A : i32
    %add3A = arith.addi %mul3A_0, %arg0 : i32
    %mul3A_1 = arith.constant 25600 : i32
    %mul3A_2 = arith.muli %add3A, %mul3A_1 : i32
    "tpu.region"() ({
      %run_scoped3A = tpu.sem_alloc : memref<!tpu.dma_semaphore, #tpu.memory_space<semaphore_mem>>
      %dma_start3A_59 = arith.constant 0 : i32
      %dma_start3A_60 = arith.constant 0 : i32
      %dma_start3A_61 = tpu.memref_slice %arg2[%add3A, %dma_start3A_59, %dma_start3A_60] : memref<32x200x128xi32, #tpu.memory_space<hbm>> -> memref<1x200x128xi32, #tpu.memory_space<hbm>>
      %dma_start3A_62 = tpu.memref_squeeze %dma_start3A_61 : memref<1x200x128xi32, #tpu.memory_space<hbm>> -> memref<200x128xi32, #tpu.memory_space<hbm>>
      %dma_start3A_63 = arith.constant 0 : i32
      %dma_start3A_64 = arith.constant 0 : i32
      %dma_start3A_65 = tpu.memref_slice %arg2[%add3A, %dma_start3A_63, %dma_start3A_64] : memref<32x200x128xi32, #tpu.memory_space<hbm>> -> memref<1x200x128xi32, #tpu.memory_space<hbm>>
      %dma_start3A_66 = tpu.memref_squeeze %dma_start3A_65 : memref<1x200x128xi32, #tpu.memory_space<hbm>> -> memref<200x128xi32, #tpu.memory_space<hbm>>
      tpu.enqueue_dma source(%dma_start3A_66 : memref<200x128xi32, #tpu.memory_space<hbm>>) target(%arg5 : memref<200x128xi32, #tpu.memory_space<vmem>>) target_semaphore(%run_scoped3A : memref<!tpu.dma_semaphore, #tpu.memory_space<semaphore_mem>>)
      %dma_wait3A_67 = arith.constant 0 : i32
      %dma_wait3A_68 = arith.constant 0 : i32
      %dma_wait3A_69 = tpu.memref_slice %arg2[%add3A, %dma_wait3A_67, %dma_wait3A_68] : memref<32x200x128xi32, #tpu.memory_space<hbm>> -> memref<1x200x128xi32, #tpu.memory_space<hbm>>
      %dma_wait3A_70 = tpu.memref_squeeze %dma_wait3A_69 : memref<1x200x128xi32, #tpu.memory_space<hbm>> -> memref<200x128xi32, #tpu.memory_space<hbm>>
      %dma_wait3A_71 = arith.constant 0 : i32
      %dma_wait3A_72 = arith.constant 0 : i32
      %dma_wait3A_73 = tpu.memref_slice %arg2[%add3A, %dma_wait3A_71, %dma_wait3A_72] : memref<32x200x128xi32, #tpu.memory_space<hbm>> -> memref<1x200x128xi32, #tpu.memory_space<hbm>>
      %dma_wait3A_74 = tpu.memref_squeeze %dma_wait3A_73 : memref<1x200x128xi32, #tpu.memory_space<hbm>> -> memref<200x128xi32, #tpu.memory_space<hbm>>
      tpu.wait_dma2 semaphore(%run_scoped3A : memref<!tpu.dma_semaphore, #tpu.memory_space<semaphore_mem>>) src(%dma_wait3A_74 : memref<200x128xi32, #tpu.memory_space<hbm>>) dst(%arg5 : memref<200x128xi32, #tpu.memory_space<vmem>>)
      tpu.yield
    }) : () -> ()
    %dma_start3A = arith.constant 0 : i32
    %dma_start3A_3 = arith.constant 0 : i32
    %dma_start3A_4 = tpu.memref_slice %arg5[%dma_start3A, %dma_start3A_3] : memref<200x128xi32, #tpu.memory_space<vmem>> -> memref<1x128xi32, #tpu.memory_space<vmem>>
    %dma_start3A_5 = tpu.memref_squeeze %dma_start3A_4 : memref<1x128xi32, #tpu.memory_space<vmem>> -> memref<128xi32, #tpu.memory_space<vmem>>
    %dma_start3A_6 = arith.constant 0 : i32
    %dma_start3A_7 = arith.constant 0 : i32
    %dma_start3A_8 = tpu.memref_slice %arg3[%dma_start3A_6, %dma_start3A_7] : memref<1000000x64xf32, #tpu.memory_space<hbm>> -> memref<1000000x64xf32, #tpu.memory_space<hbm>>
    tpu.enqueue_indirect_dma source(%dma_start3A_8 : memref<1000000x64xf32, #tpu.memory_space<hbm>>) target(%arg6 : memref<128x64xf32, #tpu.memory_space<vmem>>) offsets(%dma_start3A_5 : memref<128xi32, #tpu.memory_space<vmem>>) semaphore(%arg14 : memref<!tpu.dma_semaphore, #tpu.memory_space<semaphore_mem>>)
    %dma_start3A_9 = arith.constant 1 : i32
    %dma_start3A_10 = arith.constant 0 : i32
    %dma_start3A_11 = tpu.memref_slice %arg5[%dma_start3A_9, %dma_start3A_10] : memref<200x128xi32, #tpu.memory_space<vmem>> -> memref<1x128xi32, #tpu.memory_space<vmem>>
    %dma_start3A_12 = tpu.memref_squeeze %dma_start3A_11 : memref<1x128xi32, #tpu.memory_space<vmem>> -> memref<128xi32, #tpu.memory_space<vmem>>
    %dma_start3A_13 = arith.constant 0 : i32
    %dma_start3A_14 = arith.constant 0 : i32
    %dma_start3A_15 = tpu.memref_slice %arg3[%dma_start3A_13, %dma_start3A_14] : memref<1000000x64xf32, #tpu.memory_space<hbm>> -> memref<1000000x64xf32, #tpu.memory_space<hbm>>
    tpu.enqueue_indirect_dma source(%dma_start3A_15 : memref<1000000x64xf32, #tpu.memory_space<hbm>>) target(%arg7 : memref<128x64xf32, #tpu.memory_space<vmem>>) offsets(%dma_start3A_12 : memref<128xi32, #tpu.memory_space<vmem>>) semaphore(%arg15 : memref<!tpu.dma_semaphore, #tpu.memory_space<semaphore_mem>>)
    %dma_start3A_16 = arith.constant 2 : i32
    %dma_start3A_17 = arith.constant 0 : i32
    %dma_start3A_18 = tpu.memref_slice %arg5[%dma_start3A_16, %dma_start3A_17] : memref<200x128xi32, #tpu.memory_space<vmem>> -> memref<1x128xi32, #tpu.memory_space<vmem>>
    %dma_start3A_19 = tpu.memref_squeeze %dma_start3A_18 : memref<1x128xi32, #tpu.memory_space<vmem>> -> memref<128xi32, #tpu.memory_space<vmem>>
    %dma_start3A_20 = arith.constant 0 : i32
    %dma_start3A_21 = arith.constant 0 : i32
    %dma_start3A_22 = tpu.memref_slice %arg3[%dma_start3A_20, %dma_start3A_21] : memref<1000000x64xf32, #tpu.memory_space<hbm>> -> memref<1000000x64xf32, #tpu.memory_space<hbm>>
    tpu.enqueue_indirect_dma source(%dma_start3A_22 : memref<1000000x64xf32, #tpu.memory_space<hbm>>) target(%arg8 : memref<128x64xf32, #tpu.memory_space<vmem>>) offsets(%dma_start3A_19 : memref<128xi32, #tpu.memory_space<vmem>>) semaphore(%arg16 : memref<!tpu.dma_semaphore, #tpu.memory_space<semaphore_mem>>)
    %dma_start3A_23 = arith.constant 3 : i32
    %dma_start3A_24 = arith.constant 0 : i32
    %dma_start3A_25 = tpu.memref_slice %arg5[%dma_start3A_23, %dma_start3A_24] : memref<200x128xi32, #tpu.memory_space<vmem>> -> memref<1x128xi32, #tpu.memory_space<vmem>>
    %dma_start3A_26 = tpu.memref_squeeze %dma_start3A_25 : memref<1x128xi32, #tpu.memory_space<vmem>> -> memref<128xi32, #tpu.memory_space<vmem>>
    %dma_start3A_27 = arith.constant 0 : i32
    %dma_start3A_28 = arith.constant 0 : i32
    %dma_start3A_29 = tpu.memref_slice %arg3[%dma_start3A_27, %dma_start3A_28] : memref<1000000x64xf32, #tpu.memory_space<hbm>> -> memref<1000000x64xf32, #tpu.memory_space<hbm>>
    tpu.enqueue_indirect_dma source(%dma_start3A_29 : memref<1000000x64xf32, #tpu.memory_space<hbm>>) target(%arg9 : memref<128x64xf32, #tpu.memory_space<vmem>>) offsets(%dma_start3A_26 : memref<128xi32, #tpu.memory_space<vmem>>) semaphore(%arg17 : memref<!tpu.dma_semaphore, #tpu.memory_space<semaphore_mem>>)
    %scan3A = arith.constant 0 : i32
    %scan3A_30 = arith.constant 0 : i32
    %scan3A_31 = arith.constant 50 : i32
    %scan3A_32 = arith.addi %scan3A_30, %scan3A_31 : i32
    %scan3A_33 = arith.constant 1 : i32
    %scan3A_34 = scf.for %scan3A_59 = %scan3A_30 to %scan3A_32 step %scan3A_33 iter_args(%scan3A_60 = %scan3A) -> (i32)  : i32 {
      %mul3A_61 = arith.constant 4 : i32
      %mul3A_62 = arith.muli %scan3A_59, %mul3A_61 : i32
      %add3A_63 = arith.constant 0 : i32
      %add3A_64 = arith.addi %mul3A_62, %add3A_63 : i32
      %dma_wait3A_65 = arith.constant 0 : i32
      %dma_wait3A_66 = tpu.memref_slice %arg5[%add3A_64, %dma_wait3A_65] : memref<200x128xi32, #tpu.memory_space<vmem>> -> memref<1x128xi32, #tpu.memory_space<vmem>>
      %dma_wait3A_67 = tpu.memref_squeeze %dma_wait3A_66 : memref<1x128xi32, #tpu.memory_space<vmem>> -> memref<128xi32, #tpu.memory_space<vmem>>
      %dma_wait3A_68 = arith.constant 0 : i32
      %dma_wait3A_69 = arith.constant 0 : i32
      %dma_wait3A_70 = tpu.memref_slice %arg3[%dma_wait3A_68, %dma_wait3A_69] : memref<1000000x64xf32, #tpu.memory_space<hbm>> -> memref<1000000x64xf32, #tpu.memory_space<hbm>>
      tpu.wait_indirect_dma semaphore(%arg14 : memref<!tpu.dma_semaphore, #tpu.memory_space<semaphore_mem>>) src(%dma_wait3A_70 : memref<1000000x64xf32, #tpu.memory_space<hbm>>) dst(%arg6 : memref<128x64xf32, #tpu.memory_space<vmem>>)
      %gt3A = arith.constant 0 : i32
      %gt3A_71 = arith.cmpi sgt, %scan3A_59, %gt3A : i32
      %convert_element_type3A = arith.extui %gt3A_71 : i1 to i32
      %cond3A = arith.constant 0 : i32
      %cond3A_72 = arith.cmpi ne, %convert_element_type3A, %cond3A : i32
      scf.if %cond3A_72 {
        %sub3A = arith.constant 4 : i32
        %sub3A_202 = arith.subi %add3A_64, %sub3A : i32
        %mul3A_203 = arith.constant 128 : i32
        %mul3A_204 = arith.muli %sub3A_202, %mul3A_203 : i32
        %add3A_205 = arith.addi %mul3A_2, %mul3A_204 : i32
        %dma_wait3A_206 = arith.constant 0 : i32
        %dma_wait3A_207 = tpu.memref_slice %arg4[%add3A_205, %dma_wait3A_206] : memref<819200x64xf32, #tpu.memory_space<hbm>> -> memref<128x64xf32, #tpu.memory_space<hbm>>
        %dma_wait3A_208 = arith.constant 0 : i32
        %dma_wait3A_209 = tpu.memref_slice %arg4[%add3A_205, %dma_wait3A_208] : memref<819200x64xf32, #tpu.memory_space<hbm>> -> memref<128x64xf32, #tpu.memory_space<hbm>>
        tpu.wait_dma2 semaphore(%arg18 : memref<!tpu.dma_semaphore, #tpu.memory_space<semaphore_mem>>) src(%arg10 : memref<128x64xf32, #tpu.memory_space<vmem>>) dst(%dma_wait3A_209 : memref<128x64xf32, #tpu.memory_space<hbm>>)
      } else {
      }
      %scan3A_73 = arith.constant 0 : i32
      %scan3A_74 = arith.constant 0 : i32
      %scan3A_75 = arith.constant 128 : i32
      %scan3A_76 = arith.addi %scan3A_74, %scan3A_75 : i32
      %scan3A_77 = arith.constant 2 : i32
      %scan3A_78 = scf.for %scan3A_202 = %scan3A_74 to %scan3A_76 step %scan3A_77 iter_args(%scan3A_203 = %scan3A_73) -> (i32)  : i32 {
        %get3A = arith.constant 0 : i32
        %get3A_204 = tpu.memref_slice %arg6[%scan3A_202, %get3A] : memref<128x64xf32, #tpu.memory_space<vmem>> -> memref<1x64xf32, #tpu.memory_space<vmem>>
        %get3A_205 = tpu.memref_squeeze %get3A_204 : memref<1x64xf32, #tpu.memory_space<vmem>> -> memref<64xf32, #tpu.memory_space<vmem>>
        %get3A_206 = arith.constant 0 : index
        %get3A_207 = tpu.vector_load %get3A_205[%get3A_206] {strides = array<i32>} : memref<64xf32, #tpu.memory_space<vmem>>, vector<16xf32>,
        %get3A_208 = vector.shape_cast %get3A_207 : vector<16xf32> to vector<16xf32>
        %mul3A_209 = arith.constant 8.000000e+00 : f32
        %mul3A_210 = vector.broadcast %mul3A_209 : f32 to vector<16xf32>
        %mul3A_211 = arith.mulf %get3A_208, %mul3A_210 : vector<16xf32>
        %swap3A = arith.constant 0 : i32
        %swap3A_212 = tpu.memref_slice %arg10[%scan3A_202, %swap3A] : memref<128x64xf32, #tpu.memory_space<vmem>> -> memref<1x64xf32, #tpu.memory_space<vmem>>
        %swap3A_213 = tpu.memref_squeeze %swap3A_212 : memref<1x64xf32, #tpu.memory_space<vmem>> -> memref<64xf32, #tpu.memory_space<vmem>>
        %swap3A_214 = arith.constant 0 : index
        %swap3A_215 = tpu.vector_load %swap3A_213[%swap3A_214] {strides = array<i32>} : memref<64xf32, #tpu.memory_space<vmem>>, vector<16xf32>,
        %swap3A_216 = vector.shape_cast %swap3A_215 : vector<16xf32> to vector<16xf32>
        %swap3A_217 = vector.shape_cast %mul3A_211 : vector<16xf32> to vector<16xf32>
        tpu.vector_store %swap3A_213[%swap3A_214], %swap3A_217 {strides = array<i32>} : memref<64xf32, #tpu.memory_space<vmem>>, vector<16xf32>,
        %get3A_218 = arith.constant 0 : i32
        %get3A_219 = tpu.memref_slice %arg6[%scan3A_202, %get3A_218] : memref<128x64xf32, #tpu.memory_space<vmem>> -> memref<1x64xf32, #tpu.memory_space<vmem>>
        %get3A_220 = tpu.memref_squeeze %get3A_219 : memref<1x64xf32, #tpu.memory_space<vmem>> -> memref<64xf32, #tpu.memory_space<vmem>>
        %get3A_221 = arith.constant 16 : index
        %get3A_222 = tpu.vector_load %get3A_220[%get3A_221] {strides = array<i32>} : memref<64xf32, #tpu.memory_space<vmem>>, vector<16xf32>,
        %get3A_223 = vector.shape_cast %get3A_222 : vector<16xf32> to vector<16xf32>
        %mul3A_224 = arith.constant 8.000000e+00 : f32
        %mul3A_225 = vector.broadcast %mul3A_224 : f32 to vector<16xf32>
        %mul3A_226 = arith.mulf %get3A_223, %mul3A_225 : vector<16xf32>
        %swap3A_227 = arith.constant 0 : i32
        %swap3A_228 = tpu.memref_slice %arg10[%scan3A_202, %swap3A_227] : memref<128x64xf32, #tpu.memory_space<vmem>> -> memref<1x64xf32, #tpu.memory_space<vmem>>
        %swap3A_229 = tpu.memref_squeeze %swap3A_228 : memref<1x64xf32, #tpu.memory_space<vmem>> -> memref<64xf32, #tpu.memory_space<vmem>>
        %swap3A_230 = arith.constant 16 : index
        %swap3A_231 = tpu.vector_load %swap3A_229[%swap3A_230] {strides = array<i32>} : memref<64xf32, #tpu.memory_space<vmem>>, vector<16xf32>,
        %swap3A_232 = vector.shape_cast %swap3A_231 : vector<16xf32> to vector<16xf32>
        %swap3A_233 = vector.shape_cast %mul3A_226 : vector<16xf32> to vector<16xf32>
        tpu.vector_store %swap3A_229[%swap3A_230], %swap3A_233 {strides = array<i32>} : memref<64xf32, #tpu.memory_space<vmem>>, vector<16xf32>,
        %get3A_234 = arith.constant 0 : i32
        %get3A_235 = tpu.memref_slice %arg6[%scan3A_202, %get3A_234] : memref<128x64xf32, #tpu.memory_space<vmem>> -> memref<1x64xf32, #tpu.memory_space<vmem>>
        %get3A_236 = tpu.memref_squeeze %get3A_235 : memref<1x64xf32, #tpu.memory_space<vmem>> -> memref<64xf32, #tpu.memory_space<vmem>>
        %get3A_237 = arith.constant 32 : index
        %get3A_238 = tpu.vector_load %get3A_236[%get3A_237] {strides = array<i32>} : memref<64xf32, #tpu.memory_space<vmem>>, vector<16xf32>,
        %get3A_239 = vector.shape_cast %get3A_238 : vector<16xf32> to vector<16xf32>
        %mul3A_240 = arith.constant 8.000000e+00 : f32
        %mul3A_241 = vector.broadcast %mul3A_240 : f32 to vector<16xf32>
        %mul3A_242 = arith.mulf %get3A_239, %mul3A_241 : vector<16xf32>
        %swap3A_243 = arith.constant 0 : i32
        %swap3A_244 = tpu.memref_slice %arg10[%scan3A_202, %swap3A_243] : memref<128x64xf32, #tpu.memory_space<vmem>> -> memref<1x64xf32, #tpu.memory_space<vmem>>
        %swap3A_245 = tpu.memref_squeeze %swap3A_244 : memref<1x64xf32, #tpu.memory_space<vmem>> -> memref<64xf32, #tpu.memory_space<vmem>>
        %swap3A_246 = arith.constant 32 : index
        %swap3A_247 = tpu.vector_load %swap3A_245[%swap3A_246] {strides = array<i32>} : memref<64xf32, #tpu.memory_space<vmem>>, vector<16xf32>,
        %swap3A_248 = vector.shape_cast %swap3A_247 : vector<16xf32> to vector<16xf32>
        %swap3A_249 = vector.shape_cast %mul3A_242 : vector<16xf32> to vector<16xf32>
        tpu.vector_store %swap3A_245[%swap3A_246], %swap3A_249 {strides = array<i32>} : memref<64xf32, #tpu.memory_space<vmem>>, vector<16xf32>,
        %get3A_250 = arith.constant 0 : i32
        %get3A_251 = tpu.memref_slice %arg6[%scan3A_202, %get3A_250] : memref<128x64xf32, #tpu.memory_space<vmem>> -> memref<1x64xf32, #tpu.memory_space<vmem>>
        %get3A_252 = tpu.memref_squeeze %get3A_251 : memref<1x64xf32, #tpu.memory_space<vmem>> -> memref<64xf32, #tpu.memory_space<vmem>>
        %get3A_253 = arith.constant 48 : index
        %get3A_254 = tpu.vector_load %get3A_252[%get3A_253] {strides = array<i32>} : memref<64xf32, #tpu.memory_space<vmem>>, vector<16xf32>,
        %get3A_255 = vector.shape_cast %get3A_254 : vector<16xf32> to vector<16xf32>
        %mul3A_256 = arith.constant 8.000000e+00 : f32
        %mul3A_257 = vector.broadcast %mul3A_256 : f32 to vector<16xf32>
        %mul3A_258 = arith.mulf %get3A_255, %mul3A_257 : vector<16xf32>
        %swap3A_259 = arith.constant 0 : i32
        %swap3A_260 = tpu.memref_slice %arg10[%scan3A_202, %swap3A_259] : memref<128x64xf32, #tpu.memory_space<vmem>> -> memref<1x64xf32, #tpu.memory_space<vmem>>
        %swap3A_261 = tpu.memref_squeeze %swap3A_260 : memref<1x64xf32, #tpu.memory_space<vmem>> -> memref<64xf32, #tpu.memory_space<vmem>>
        %swap3A_262 = arith.constant 48 : index
        %swap3A_263 = tpu.vector_load %swap3A_261[%swap3A_262] {strides = array<i32>} : memref<64xf32, #tpu.memory_space<vmem>>, vector<16xf32>,
        %swap3A_264 = vector.shape_cast %swap3A_263 : vector<16xf32> to vector<16xf32>
        %swap3A_265 = vector.shape_cast %mul3A_258 : vector<16xf32> to vector<16xf32>
        tpu.vector_store %swap3A_261[%swap3A_262], %swap3A_265 {strides = array<i32>} : memref<64xf32, #tpu.memory_space<vmem>>, vector<16xf32>,
        %scan3A_266 = arith.constant 0 : i32
        %scan3A_267 = arith.constant 1 : i32
        %scan3A_268 = arith.addi %scan3A_202, %scan3A_267 : i32
        %get3A_269 = arith.constant 0 : i32
        %get3A_270 = tpu.memref_slice %arg6[%scan3A_268, %get3A_269] : memref<128x64xf32, #tpu.memory_space<vmem>> -> memref<1x64xf32, #tpu.memory_space<vmem>>
        %get3A_271 = tpu.memref_squeeze %get3A_270 : memref<1x64xf32, #tpu.memory_space<vmem>> -> memref<64xf32, #tpu.memory_space<vmem>>
        %get3A_272 = arith.constant 0 : index
        %get3A_273 = tpu.vector_load %get3A_271[%get3A_272] {strides = array<i32>} : memref<64xf32, #tpu.memory_space<vmem>>, vector<16xf32>,
        %get3A_274 = vector.shape_cast %get3A_273 : vector<16xf32> to vector<16xf32>
        %mul3A_275 = arith.constant 8.000000e+00 : f32
        %mul3A_276 = vector.broadcast %mul3A_275 : f32 to vector<16xf32>
        %mul3A_277 = arith.mulf %get3A_274, %mul3A_276 : vector<16xf32>
        %swap3A_278 = arith.constant 0 : i32
        %swap3A_279 = tpu.memref_slice %arg10[%scan3A_268, %swap3A_278] : memref<128x64xf32, #tpu.memory_space<vmem>> -> memref<1x64xf32, #tpu.memory_space<vmem>>
        %swap3A_280 = tpu.memref_squeeze %swap3A_279 : memref<1x64xf32, #tpu.memory_space<vmem>> -> memref<64xf32, #tpu.memory_space<vmem>>
        %swap3A_281 = arith.constant 0 : index
        %swap3A_282 = tpu.vector_load %swap3A_280[%swap3A_281] {strides = array<i32>} : memref<64xf32, #tpu.memory_space<vmem>>, vector<16xf32>,
        %swap3A_283 = vector.shape_cast %swap3A_282 : vector<16xf32> to vector<16xf32>
        %swap3A_284 = vector.shape_cast %mul3A_277 : vector<16xf32> to vector<16xf32>
        tpu.vector_store %swap3A_280[%swap3A_281], %swap3A_284 {strides = array<i32>} : memref<64xf32, #tpu.memory_space<vmem>>, vector<16xf32>,
        %get3A_285 = arith.constant 0 : i32
        %get3A_286 = tpu.memref_slice %arg6[%scan3A_268, %get3A_285] : memref<128x64xf32, #tpu.memory_space<vmem>> -> memref<1x64xf32, #tpu.memory_space<vmem>>
        %get3A_287 = tpu.memref_squeeze %get3A_286 : memref<1x64xf32, #tpu.memory_space<vmem>> -> memref<64xf32, #tpu.memory_space<vmem>>
        %get3A_288 = arith.constant 16 : index
        %get3A_289 = tpu.vector_load %get3A_287[%get3A_288] {strides = array<i32>} : memref<64xf32, #tpu.memory_space<vmem>>, vector<16xf32>,
        %get3A_290 = vector.shape_cast %get3A_289 : vector<16xf32> to vector<16xf32>
        %mul3A_291 = arith.constant 8.000000e+00 : f32
        %mul3A_292 = vector.broadcast %mul3A_291 : f32 to vector<16xf32>
        %mul3A_293 = arith.mulf %get3A_290, %mul3A_292 : vector<16xf32>
        %swap3A_294 = arith.constant 0 : i32
        %swap3A_295 = tpu.memref_slice %arg10[%scan3A_268, %swap3A_294] : memref<128x64xf32, #tpu.memory_space<vmem>> -> memref<1x64xf32, #tpu.memory_space<vmem>>
        %swap3A_296 = tpu.memref_squeeze %swap3A_295 : memref<1x64xf32, #tpu.memory_space<vmem>> -> memref<64xf32, #tpu.memory_space<vmem>>
        %swap3A_297 = arith.constant 16 : index
        %swap3A_298 = tpu.vector_load %swap3A_296[%swap3A_297] {strides = array<i32>} : memref<64xf32, #tpu.memory_space<vmem>>, vector<16xf32>,
        %swap3A_299 = vector.shape_cast %swap3A_298 : vector<16xf32> to vector<16xf32>
        %swap3A_300 = vector.shape_cast %mul3A_293 : vector<16xf32> to vector<16xf32>
        tpu.vector_store %swap3A_296[%swap3A_297], %swap3A_300 {strides = array<i32>} : memref<64xf32, #tpu.memory_space<vmem>>, vector<16xf32>,
        %get3A_301 = arith.constant 0 : i32
        %get3A_302 = tpu.memref_slice %arg6[%scan3A_268, %get3A_301] : memref<128x64xf32, #tpu.memory_space<vmem>> -> memref<1x64xf32, #tpu.memory_space<vmem>>
        %get3A_303 = tpu.memref_squeeze %get3A_302 : memref<1x64xf32, #tpu.memory_space<vmem>> -> memref<64xf32, #tpu.memory_space<vmem>>
        %get3A_304 = arith.constant 32 : index
        %get3A_305 = tpu.vector_load %get3A_303[%get3A_304] {strides = array<i32>} : memref<64xf32, #tpu.memory_space<vmem>>, vector<16xf32>,
        %get3A_306 = vector.shape_cast %get3A_305 : vector<16xf32> to vector<16xf32>
        %mul3A_307 = arith.constant 8.000000e+00 : f32
        %mul3A_308 = vector.broadcast %mul3A_307 : f32 to vector<16xf32>
        %mul3A_309 = arith.mulf %get3A_306, %mul3A_308 : vector<16xf32>
        %swap3A_310 = arith.constant 0 : i32
        %swap3A_311 = tpu.memref_slice %arg10[%scan3A_268, %swap3A_310] : memref<128x64xf32, #tpu.memory_space<vmem>> -> memref<1x64xf32, #tpu.memory_space<vmem>>
        %swap3A_312 = tpu.memref_squeeze %swap3A_311 : memref<1x64xf32, #tpu.memory_space<vmem>> -> memref<64xf32, #tpu.memory_space<vmem>>
        %swap3A_313 = arith.constant 32 : index
        %swap3A_314 = tpu.vector_load %swap3A_312[%swap3A_313] {strides = array<i32>} : memref<64xf32, #tpu.memory_space<vmem>>, vector<16xf32>,
        %swap3A_315 = vector.shape_cast %swap3A_314 : vector<16xf32> to vector<16xf32>
        %swap3A_316 = vector.shape_cast %mul3A_309 : vector<16xf32> to vector<16xf32>
        tpu.vector_store %swap3A_312[%swap3A_313], %swap3A_316 {strides = array<i32>} : memref<64xf32, #tpu.memory_space<vmem>>, vector<16xf32>,
        %get3A_317 = arith.constant 0 : i32
        %get3A_318 = tpu.memref_slice %arg6[%scan3A_268, %get3A_317] : memref<128x64xf32, #tpu.memory_space<vmem>> -> memref<1x64xf32, #tpu.memory_space<vmem>>
        %get3A_319 = tpu.memref_squeeze %get3A_318 : memref<1x64xf32, #tpu.memory_space<vmem>> -> memref<64xf32, #tpu.memory_space<vmem>>
        %get3A_320 = arith.constant 48 : index
        %get3A_321 = tpu.vector_load %get3A_319[%get3A_320] {strides = array<i32>} : memref<64xf32, #tpu.memory_space<vmem>>, vector<16xf32>,
        %get3A_322 = vector.shape_cast %get3A_321 : vector<16xf32> to vector<16xf32>
        %mul3A_323 = arith.constant 8.000000e+00 : f32
        %mul3A_324 = vector.broadcast %mul3A_323 : f32 to vector<16xf32>
        %mul3A_325 = arith.mulf %get3A_322, %mul3A_324 : vector<16xf32>
        %swap3A_326 = arith.constant 0 : i32
        %swap3A_327 = tpu.memref_slice %arg10[%scan3A_268, %swap3A_326] : memref<128x64xf32, #tpu.memory_space<vmem>> -> memref<1x64xf32, #tpu.memory_space<vmem>>
        %swap3A_328 = tpu.memref_squeeze %swap3A_327 : memref<1x64xf32, #tpu.memory_space<vmem>> -> memref<64xf32, #tpu.memory_space<vmem>>
        %swap3A_329 = arith.constant 48 : index
        %swap3A_330 = tpu.vector_load %swap3A_328[%swap3A_329] {strides = array<i32>} : memref<64xf32, #tpu.memory_space<vmem>>, vector<16xf32>,
        %swap3A_331 = vector.shape_cast %swap3A_330 : vector<16xf32> to vector<16xf32>
        %swap3A_332 = vector.shape_cast %mul3A_325 : vector<16xf32> to vector<16xf32>
        tpu.vector_store %swap3A_328[%swap3A_329], %swap3A_332 {strides = array<i32>} : memref<64xf32, #tpu.memory_space<vmem>>, vector<16xf32>,
        %scan3A_333 = arith.constant 0 : i32
        scf.yield %scan3A_333 : i32
      }
      %scan3A_79 = arith.constant 128 : i32
      %mul3A_80 = arith.constant 128 : i32
      %mul3A_81 = arith.muli %add3A_64, %mul3A_80 : i32
      %add3A_82 = arith.addi %mul3A_2, %mul3A_81 : i32
      %dma_start3A_83 = arith.constant 0 : i32
      %dma_start3A_84 = tpu.memref_slice %arg4[%add3A_82, %dma_start3A_83] : memref<819200x64xf32, #tpu.memory_space<hbm>> -> memref<128x64xf32, #tpu.memory_space<hbm>>
      %dma_start3A_85 = arith.constant 0 : i32
      %dma_start3A_86 = tpu.memref_slice %arg4[%add3A_82, %dma_start3A_85] : memref<819200x64xf32, #tpu.memory_space<hbm>> -> memref<128x64xf32, #tpu.memory_space<hbm>>
      tpu.enqueue_dma source(%arg10 : memref<128x64xf32, #tpu.memory_space<vmem>>) target(%dma_start3A_86 : memref<128x64xf32, #tpu.memory_space<hbm>>) target_semaphore(%arg18 : memref<!tpu.dma_semaphore, #tpu.memory_space<semaphore_mem>>)
      %add3A_87 = arith.constant 4 : i32
      %add3A_88 = arith.addi %add3A_64, %add3A_87 : i32
      %lt3A = arith.constant 200 : i32
      %lt3A_89 = arith.cmpi slt, %add3A_88, %lt3A : i32
      %convert_element_type3A_90 = arith.extui %lt3A_89 : i1 to i32
      %cond3A_91 = arith.constant 0 : i32
      %cond3A_92 = arith.cmpi ne, %convert_element_type3A_90, %cond3A_91 : i32
      scf.if %cond3A_92 {
        %add3A_202 = arith.constant 4 : i32
        %add3A_203 = arith.addi %add3A_64, %add3A_202 : i32
        %dma_start3A_204 = arith.constant 0 : i32
        %dma_start3A_205 = tpu.memref_slice %arg5[%add3A_203, %dma_start3A_204] : memref<200x128xi32, #tpu.memory_space<vmem>> -> memref<1x128xi32, #tpu.memory_space<vmem>>
        %dma_start3A_206 = tpu.memref_squeeze %dma_start3A_205 : memref<1x128xi32, #tpu.memory_space<vmem>> -> memref<128xi32, #tpu.memory_space<vmem>>
        %dma_start3A_207 = arith.constant 0 : i32
        %dma_start3A_208 = arith.constant 0 : i32
        %dma_start3A_209 = tpu.memref_slice %arg3[%dma_start3A_207, %dma_start3A_208] : memref<1000000x64xf32, #tpu.memory_space<hbm>> -> memref<1000000x64xf32, #tpu.memory_space<hbm>>
        tpu.enqueue_indirect_dma source(%dma_start3A_209 : memref<1000000x64xf32, #tpu.memory_space<hbm>>) target(%arg6 : memref<128x64xf32, #tpu.memory_space<vmem>>) offsets(%dma_start3A_206 : memref<128xi32, #tpu.memory_space<vmem>>) semaphore(%arg14 : memref<!tpu.dma_semaphore, #tpu.memory_space<semaphore_mem>>)
      } else {
      }
      %mul3A_93 = arith.constant 4 : i32
      %mul3A_94 = arith.muli %scan3A_59, %mul3A_93 : i32
      %add3A_95 = arith.constant 1 : i32
      %add3A_96 = arith.addi %mul3A_94, %add3A_95 : i32
      %dma_wait3A_97 = arith.constant 0 : i32
      %dma_wait3A_98 = tpu.memref_slice %arg5[%add3A_96, %dma_wait3A_97] : memref<200x128xi32, #tpu.memory_space<vmem>> -> memref<1x128xi32, #tpu.memory_space<vmem>>
      %dma_wait3A_99 = tpu.memref_squeeze %dma_wait3A_98 : memref<1x128xi32, #tpu.memory_space<vmem>> -> memref<128xi32, #tpu.memory_space<vmem>>
      %dma_wait3A_100 = arith.constant 0 : i32
      %dma_wait3A_101 = arith.constant 0 : i32
      %dma_wait3A_102 = tpu.memref_slice %arg3[%dma_wait3A_100, %dma_wait3A_101] : memref<1000000x64xf32, #tpu.memory_space<hbm>> -> memref<1000000x64xf32, #tpu.memory_space<hbm>>
      tpu.wait_indirect_dma semaphore(%arg15 : memref<!tpu.dma_semaphore, #tpu.memory_space<semaphore_mem>>) src(%dma_wait3A_102 : memref<1000000x64xf32, #tpu.memory_space<hbm>>) dst(%arg7 : memref<128x64xf32, #tpu.memory_space<vmem>>)
      %gt3A_103 = arith.constant 0 : i32
      %gt3A_104 = arith.cmpi sgt, %scan3A_59, %gt3A_103 : i32
      %convert_element_type3A_105 = arith.extui %gt3A_104 : i1 to i32
      %cond3A_106 = arith.constant 0 : i32
      %cond3A_107 = arith.cmpi ne, %convert_element_type3A_105, %cond3A_106 : i32
      scf.if %cond3A_107 {
        %sub3A = arith.constant 4 : i32
        %sub3A_202 = arith.subi %add3A_96, %sub3A : i32
        %mul3A_203 = arith.constant 128 : i32
        %mul3A_204 = arith.muli %sub3A_202, %mul3A_203 : i32
        %add3A_205 = arith.addi %mul3A_2, %mul3A_204 : i32
        %dma_wait3A_206 = arith.constant 0 : i32
        %dma_wait3A_207 = tpu.memref_slice %arg4[%add3A_205, %dma_wait3A_206] : memref<819200x64xf32, #tpu.memory_space<hbm>> -> memref<128x64xf32, #tpu.memory_space<hbm>>
        %dma_wait3A_208 = arith.constant 0 : i32
        %dma_wait3A_209 = tpu.memref_slice %arg4[%add3A_205, %dma_wait3A_208] : memref<819200x64xf32, #tpu.memory_space<hbm>> -> memref<128x64xf32, #tpu.memory_space<hbm>>
        tpu.wait_dma2 semaphore(%arg19 : memref<!tpu.dma_semaphore, #tpu.memory_space<semaphore_mem>>) src(%arg11 : memref<128x64xf32, #tpu.memory_space<vmem>>) dst(%dma_wait3A_209 : memref<128x64xf32, #tpu.memory_space<hbm>>)
      } else {
      }
      %scan3A_108 = arith.constant 0 : i32
      %scan3A_109 = arith.constant 0 : i32
      %scan3A_110 = arith.constant 128 : i32
      %scan3A_111 = arith.addi %scan3A_109, %scan3A_110 : i32
      %scan3A_112 = arith.constant 2 : i32
      %scan3A_113 = scf.for %scan3A_202 = %scan3A_109 to %scan3A_111 step %scan3A_112 iter_args(%scan3A_203 = %scan3A_108) -> (i32)  : i32 {
        %get3A = arith.constant 0 : i32
        %get3A_204 = tpu.memref_slice %arg7[%scan3A_202, %get3A] : memref<128x64xf32, #tpu.memory_space<vmem>> -> memref<1x64xf32, #tpu.memory_space<vmem>>
        %get3A_205 = tpu.memref_squeeze %get3A_204 : memref<1x64xf32, #tpu.memory_space<vmem>> -> memref<64xf32, #tpu.memory_space<vmem>>
        %get3A_206 = arith.constant 0 : index
        %get3A_207 = tpu.vector_load %get3A_205[%get3A_206] {strides = array<i32>} : memref<64xf32, #tpu.memory_space<vmem>>, vector<16xf32>,
        %get3A_208 = vector.shape_cast %get3A_207 : vector<16xf32> to vector<16xf32>
        %mul3A_209 = arith.constant 8.000000e+00 : f32
        %mul3A_210 = vector.broadcast %mul3A_209 : f32 to vector<16xf32>
        %mul3A_211 = arith.mulf %get3A_208, %mul3A_210 : vector<16xf32>
        %swap3A = arith.constant 0 : i32
        %swap3A_212 = tpu.memref_slice %arg11[%scan3A_202, %swap3A] : memref<128x64xf32, #tpu.memory_space<vmem>> -> memref<1x64xf32, #tpu.memory_space<vmem>>
        %swap3A_213 = tpu.memref_squeeze %swap3A_212 : memref<1x64xf32, #tpu.memory_space<vmem>> -> memref<64xf32, #tpu.memory_space<vmem>>
        %swap3A_214 = arith.constant 0 : index
        %swap3A_215 = tpu.vector_load %swap3A_213[%swap3A_214] {strides = array<i32>} : memref<64xf32, #tpu.memory_space<vmem>>, vector<16xf32>,
        %swap3A_216 = vector.shape_cast %swap3A_215 : vector<16xf32> to vector<16xf32>
        %swap3A_217 = vector.shape_cast %mul3A_211 : vector<16xf32> to vector<16xf32>
        tpu.vector_store %swap3A_213[%swap3A_214], %swap3A_217 {strides = array<i32>} : memref<64xf32, #tpu.memory_space<vmem>>, vector<16xf32>,
        %get3A_218 = arith.constant 0 : i32
        %get3A_219 = tpu.memref_slice %arg7[%scan3A_202, %get3A_218] : memref<128x64xf32, #tpu.memory_space<vmem>> -> memref<1x64xf32, #tpu.memory_space<vmem>>
        %get3A_220 = tpu.memref_squeeze %get3A_219 : memref<1x64xf32, #tpu.memory_space<vmem>> -> memref<64xf32, #tpu.memory_space<vmem>>
        %get3A_221 = arith.constant 16 : index
        %get3A_222 = tpu.vector_load %get3A_220[%get3A_221] {strides = array<i32>} : memref<64xf32, #tpu.memory_space<vmem>>, vector<16xf32>,
        %get3A_223 = vector.shape_cast %get3A_222 : vector<16xf32> to vector<16xf32>
        %mul3A_224 = arith.constant 8.000000e+00 : f32
        %mul3A_225 = vector.broadcast %mul3A_224 : f32 to vector<16xf32>
        %mul3A_226 = arith.mulf %get3A_223, %mul3A_225 : vector<16xf32>
        %swap3A_227 = arith.constant 0 : i32
        %swap3A_228 = tpu.memref_slice %arg11[%scan3A_202, %swap3A_227] : memref<128x64xf32, #tpu.memory_space<vmem>> -> memref<1x64xf32, #tpu.memory_space<vmem>>
        %swap3A_229 = tpu.memref_squeeze %swap3A_228 : memref<1x64xf32, #tpu.memory_space<vmem>> -> memref<64xf32, #tpu.memory_space<vmem>>
        %swap3A_230 = arith.constant 16 : index
        %swap3A_231 = tpu.vector_load %swap3A_229[%swap3A_230] {strides = array<i32>} : memref<64xf32, #tpu.memory_space<vmem>>, vector<16xf32>,
        %swap3A_232 = vector.shape_cast %swap3A_231 : vector<16xf32> to vector<16xf32>
        %swap3A_233 = vector.shape_cast %mul3A_226 : vector<16xf32> to vector<16xf32>
        tpu.vector_store %swap3A_229[%swap3A_230], %swap3A_233 {strides = array<i32>} : memref<64xf32, #tpu.memory_space<vmem>>, vector<16xf32>,
        %get3A_234 = arith.constant 0 : i32
        %get3A_235 = tpu.memref_slice %arg7[%scan3A_202, %get3A_234] : memref<128x64xf32, #tpu.memory_space<vmem>> -> memref<1x64xf32, #tpu.memory_space<vmem>>
        %get3A_236 = tpu.memref_squeeze %get3A_235 : memref<1x64xf32, #tpu.memory_space<vmem>> -> memref<64xf32, #tpu.memory_space<vmem>>
        %get3A_237 = arith.constant 32 : index
        %get3A_238 = tpu.vector_load %get3A_236[%get3A_237] {strides = array<i32>} : memref<64xf32, #tpu.memory_space<vmem>>, vector<16xf32>,
        %get3A_239 = vector.shape_cast %get3A_238 : vector<16xf32> to vector<16xf32>
        %mul3A_240 = arith.constant 8.000000e+00 : f32
        %mul3A_241 = vector.broadcast %mul3A_240 : f32 to vector<16xf32>
        %mul3A_242 = arith.mulf %get3A_239, %mul3A_241 : vector<16xf32>
        %swap3A_243 = arith.constant 0 : i32
        %swap3A_244 = tpu.memref_slice %arg11[%scan3A_202, %swap3A_243] : memref<128x64xf32, #tpu.memory_space<vmem>> -> memref<1x64xf32, #tpu.memory_space<vmem>>
        %swap3A_245 = tpu.memref_squeeze %swap3A_244 : memref<1x64xf32, #tpu.memory_space<vmem>> -> memref<64xf32, #tpu.memory_space<vmem>>
        %swap3A_246 = arith.constant 32 : index
        %swap3A_247 = tpu.vector_load %swap3A_245[%swap3A_246] {strides = array<i32>} : memref<64xf32, #tpu.memory_space<vmem>>, vector<16xf32>,
        %swap3A_248 = vector.shape_cast %swap3A_247 : vector<16xf32> to vector<16xf32>
        %swap3A_249 = vector.shape_cast %mul3A_242 : vector<16xf32> to vector<16xf32>
        tpu.vector_store %swap3A_245[%swap3A_246], %swap3A_249 {strides = array<i32>} : memref<64xf32, #tpu.memory_space<vmem>>, vector<16xf32>,
        %get3A_250 = arith.constant 0 : i32
        %get3A_251 = tpu.memref_slice %arg7[%scan3A_202, %get3A_250] : memref<128x64xf32, #tpu.memory_space<vmem>> -> memref<1x64xf32, #tpu.memory_space<vmem>>
        %get3A_252 = tpu.memref_squeeze %get3A_251 : memref<1x64xf32, #tpu.memory_space<vmem>> -> memref<64xf32, #tpu.memory_space<vmem>>
        %get3A_253 = arith.constant 48 : index
        %get3A_254 = tpu.vector_load %get3A_252[%get3A_253] {strides = array<i32>} : memref<64xf32, #tpu.memory_space<vmem>>, vector<16xf32>,
        %get3A_255 = vector.shape_cast %get3A_254 : vector<16xf32> to vector<16xf32>
        %mul3A_256 = arith.constant 8.000000e+00 : f32
        %mul3A_257 = vector.broadcast %mul3A_256 : f32 to vector<16xf32>
        %mul3A_258 = arith.mulf %get3A_255, %mul3A_257 : vector<16xf32>
        %swap3A_259 = arith.constant 0 : i32
        %swap3A_260 = tpu.memref_slice %arg11[%scan3A_202, %swap3A_259] : memref<128x64xf32, #tpu.memory_space<vmem>> -> memref<1x64xf32, #tpu.memory_space<vmem>>
        %swap3A_261 = tpu.memref_squeeze %swap3A_260 : memref<1x64xf32, #tpu.memory_space<vmem>> -> memref<64xf32, #tpu.memory_space<vmem>>
        %swap3A_262 = arith.constant 48 : index
        %swap3A_263 = tpu.vector_load %swap3A_261[%swap3A_262] {strides = array<i32>} : memref<64xf32, #tpu.memory_space<vmem>>, vector<16xf32>,
        %swap3A_264 = vector.shape_cast %swap3A_263 : vector<16xf32> to vector<16xf32>
        %swap3A_265 = vector.shape_cast %mul3A_258 : vector<16xf32> to vector<16xf32>
        tpu.vector_store %swap3A_261[%swap3A_262], %swap3A_265 {strides = array<i32>} : memref<64xf32, #tpu.memory_space<vmem>>, vector<16xf32>,
        %scan3A_266 = arith.constant 0 : i32
        %scan3A_267 = arith.constant 1 : i32
        %scan3A_268 = arith.addi %scan3A_202, %scan3A_267 : i32
        %get3A_269 = arith.constant 0 : i32
        %get3A_270 = tpu.memref_slice %arg7[%scan3A_268, %get3A_269] : memref<128x64xf32, #tpu.memory_space<vmem>> -> memref<1x64xf32, #tpu.memory_space<vmem>>
        %get3A_271 = tpu.memref_squeeze %get3A_270 : memref<1x64xf32, #tpu.memory_space<vmem>> -> memref<64xf32, #tpu.memory_space<vmem>>
        %get3A_272 = arith.constant 0 : index
        %get3A_273 = tpu.vector_load %get3A_271[%get3A_272] {strides = array<i32>} : memref<64xf32, #tpu.memory_space<vmem>>, vector<16xf32>,
        %get3A_274 = vector.shape_cast %get3A_273 : vector<16xf32> to vector<16xf32>
        %mul3A_275 = arith.constant 8.000000e+00 : f32
        %mul3A_276 = vector.broadcast %mul3A_275 : f32 to vector<16xf32>
        %mul3A_277 = arith.mulf %get3A_274, %mul3A_276 : vector<16xf32>
        %swap3A_278 = arith.constant 0 : i32
        %swap3A_279 = tpu.memref_slice %arg11[%scan3A_268, %swap3A_278] : memref<128x64xf32, #tpu.memory_space<vmem>> -> memref<1x64xf32, #tpu.memory_space<vmem>>
        %swap3A_280 = tpu.memref_squeeze %swap3A_279 : memref<1x64xf32, #tpu.memory_space<vmem>> -> memref<64xf32, #tpu.memory_space<vmem>>
        %swap3A_281 = arith.constant 0 : index
        %swap3A_282 = tpu.vector_load %swap3A_280[%swap3A_281] {strides = array<i32>} : memref<64xf32, #tpu.memory_space<vmem>>, vector<16xf32>,
        %swap3A_283 = vector.shape_cast %swap3A_282 : vector<16xf32> to vector<16xf32>
        %swap3A_284 = vector.shape_cast %mul3A_277 : vector<16xf32> to vector<16xf32>
        tpu.vector_store %swap3A_280[%swap3A_281], %swap3A_284 {strides = array<i32>} : memref<64xf32, #tpu.memory_space<vmem>>, vector<16xf32>,
        %get3A_285 = arith.constant 0 : i32
        %get3A_286 = tpu.memref_slice %arg7[%scan3A_268, %get3A_285] : memref<128x64xf32, #tpu.memory_space<vmem>> -> memref<1x64xf32, #tpu.memory_space<vmem>>
        %get3A_287 = tpu.memref_squeeze %get3A_286 : memref<1x64xf32, #tpu.memory_space<vmem>> -> memref<64xf32, #tpu.memory_space<vmem>>
        %get3A_288 = arith.constant 16 : index
        %get3A_289 = tpu.vector_load %get3A_287[%get3A_288] {strides = array<i32>} : memref<64xf32, #tpu.memory_space<vmem>>, vector<16xf32>,
        %get3A_290 = vector.shape_cast %get3A_289 : vector<16xf32> to vector<16xf32>
        %mul3A_291 = arith.constant 8.000000e+00 : f32
        %mul3A_292 = vector.broadcast %mul3A_291 : f32 to vector<16xf32>
        %mul3A_293 = arith.mulf %get3A_290, %mul3A_292 : vector<16xf32>
        %swap3A_294 = arith.constant 0 : i32
        %swap3A_295 = tpu.memref_slice %arg11[%scan3A_268, %swap3A_294] : memref<128x64xf32, #tpu.memory_space<vmem>> -> memref<1x64xf32, #tpu.memory_space<vmem>>
        %swap3A_296 = tpu.memref_squeeze %swap3A_295 : memref<1x64xf32, #tpu.memory_space<vmem>> -> memref<64xf32, #tpu.memory_space<vmem>>
        %swap3A_297 = arith.constant 16 : index
        %swap3A_298 = tpu.vector_load %swap3A_296[%swap3A_297] {strides = array<i32>} : memref<64xf32, #tpu.memory_space<vmem>>, vector<16xf32>,
        %swap3A_299 = vector.shape_cast %swap3A_298 : vector<16xf32> to vector<16xf32>
        %swap3A_300 = vector.shape_cast %mul3A_293 : vector<16xf32> to vector<16xf32>
        tpu.vector_store %swap3A_296[%swap3A_297], %swap3A_300 {strides = array<i32>} : memref<64xf32, #tpu.memory_space<vmem>>, vector<16xf32>,
        %get3A_301 = arith.constant 0 : i32
        %get3A_302 = tpu.memref_slice %arg7[%scan3A_268, %get3A_301] : memref<128x64xf32, #tpu.memory_space<vmem>> -> memref<1x64xf32, #tpu.memory_space<vmem>>
        %get3A_303 = tpu.memref_squeeze %get3A_302 : memref<1x64xf32, #tpu.memory_space<vmem>> -> memref<64xf32, #tpu.memory_space<vmem>>
        %get3A_304 = arith.constant 32 : index
        %get3A_305 = tpu.vector_load %get3A_303[%get3A_304] {strides = array<i32>} : memref<64xf32, #tpu.memory_space<vmem>>, vector<16xf32>,
        %get3A_306 = vector.shape_cast %get3A_305 : vector<16xf32> to vector<16xf32>
        %mul3A_307 = arith.constant 8.000000e+00 : f32
        %mul3A_308 = vector.broadcast %mul3A_307 : f32 to vector<16xf32>
        %mul3A_309 = arith.mulf %get3A_306, %mul3A_308 : vector<16xf32>
        %swap3A_310 = arith.constant 0 : i32
        %swap3A_311 = tpu.memref_slice %arg11[%scan3A_268, %swap3A_310] : memref<128x64xf32, #tpu.memory_space<vmem>> -> memref<1x64xf32, #tpu.memory_space<vmem>>
        %swap3A_312 = tpu.memref_squeeze %swap3A_311 : memref<1x64xf32, #tpu.memory_space<vmem>> -> memref<64xf32, #tpu.memory_space<vmem>>
        %swap3A_313 = arith.constant 32 : index
        %swap3A_314 = tpu.vector_load %swap3A_312[%swap3A_313] {strides = array<i32>} : memref<64xf32, #tpu.memory_space<vmem>>, vector<16xf32>,
        %swap3A_315 = vector.shape_cast %swap3A_314 : vector<16xf32> to vector<16xf32>
        %swap3A_316 = vector.shape_cast %mul3A_309 : vector<16xf32> to vector<16xf32>
        tpu.vector_store %swap3A_312[%swap3A_313], %swap3A_316 {strides = array<i32>} : memref<64xf32, #tpu.memory_space<vmem>>, vector<16xf32>,
        %get3A_317 = arith.constant 0 : i32
        %get3A_318 = tpu.memref_slice %arg7[%scan3A_268, %get3A_317] : memref<128x64xf32, #tpu.memory_space<vmem>> -> memref<1x64xf32, #tpu.memory_space<vmem>>
        %get3A_319 = tpu.memref_squeeze %get3A_318 : memref<1x64xf32, #tpu.memory_space<vmem>> -> memref<64xf32, #tpu.memory_space<vmem>>
        %get3A_320 = arith.constant 48 : index
        %get3A_321 = tpu.vector_load %get3A_319[%get3A_320] {strides = array<i32>} : memref<64xf32, #tpu.memory_space<vmem>>, vector<16xf32>,
        %get3A_322 = vector.shape_cast %get3A_321 : vector<16xf32> to vector<16xf32>
        %mul3A_323 = arith.constant 8.000000e+00 : f32
        %mul3A_324 = vector.broadcast %mul3A_323 : f32 to vector<16xf32>
        %mul3A_325 = arith.mulf %get3A_322, %mul3A_324 : vector<16xf32>
        %swap3A_326 = arith.constant 0 : i32
        %swap3A_327 = tpu.memref_slice %arg11[%scan3A_268, %swap3A_326] : memref<128x64xf32, #tpu.memory_space<vmem>> -> memref<1x64xf32, #tpu.memory_space<vmem>>
        %swap3A_328 = tpu.memref_squeeze %swap3A_327 : memref<1x64xf32, #tpu.memory_space<vmem>> -> memref<64xf32, #tpu.memory_space<vmem>>
        %swap3A_329 = arith.constant 48 : index
        %swap3A_330 = tpu.vector_load %swap3A_328[%swap3A_329] {strides = array<i32>} : memref<64xf32, #tpu.memory_space<vmem>>, vector<16xf32>,
        %swap3A_331 = vector.shape_cast %swap3A_330 : vector<16xf32> to vector<16xf32>
        %swap3A_332 = vector.shape_cast %mul3A_325 : vector<16xf32> to vector<16xf32>
        tpu.vector_store %swap3A_328[%swap3A_329], %swap3A_332 {strides = array<i32>} : memref<64xf32, #tpu.memory_space<vmem>>, vector<16xf32>,
        %scan3A_333 = arith.constant 0 : i32
        scf.yield %scan3A_333 : i32
      }
      %scan3A_114 = arith.constant 128 : i32
      %mul3A_115 = arith.constant 128 : i32
      %mul3A_116 = arith.muli %add3A_96, %mul3A_115 : i32
      %add3A_117 = arith.addi %mul3A_2, %mul3A_116 : i32
      %dma_start3A_118 = arith.constant 0 : i32
      %dma_start3A_119 = tpu.memref_slice %arg4[%add3A_117, %dma_start3A_118] : memref<819200x64xf32, #tpu.memory_space<hbm>> -> memref<128x64xf32, #tpu.memory_space<hbm>>
      %dma_start3A_120 = arith.constant 0 : i32
      %dma_start3A_121 = tpu.memref_slice %arg4[%add3A_117, %dma_start3A_120] : memref<819200x64xf32, #tpu.memory_space<hbm>> -> memref<128x64xf32, #tpu.memory_space<hbm>>
      tpu.enqueue_dma source(%arg11 : memref<128x64xf32, #tpu.memory_space<vmem>>) target(%dma_start3A_121 : memref<128x64xf32, #tpu.memory_space<hbm>>) target_semaphore(%arg19 : memref<!tpu.dma_semaphore, #tpu.memory_space<semaphore_mem>>)
      %add3A_122 = arith.constant 4 : i32
      %add3A_123 = arith.addi %add3A_96, %add3A_122 : i32
      %lt3A_124 = arith.constant 200 : i32
      %lt3A_125 = arith.cmpi slt, %add3A_123, %lt3A_124 : i32
      %convert_element_type3A_126 = arith.extui %lt3A_125 : i1 to i32
      %cond3A_127 = arith.constant 0 : i32
      %cond3A_128 = arith.cmpi ne, %convert_element_type3A_126, %cond3A_127 : i32
      scf.if %cond3A_128 {
        %add3A_202 = arith.constant 4 : i32
        %add3A_203 = arith.addi %add3A_96, %add3A_202 : i32
        %dma_start3A_204 = arith.constant 0 : i32
        %dma_start3A_205 = tpu.memref_slice %arg5[%add3A_203, %dma_start3A_204] : memref<200x128xi32, #tpu.memory_space<vmem>> -> memref<1x128xi32, #tpu.memory_space<vmem>>
        %dma_start3A_206 = tpu.memref_squeeze %dma_start3A_205 : memref<1x128xi32, #tpu.memory_space<vmem>> -> memref<128xi32, #tpu.memory_space<vmem>>
        %dma_start3A_207 = arith.constant 0 : i32
        %dma_start3A_208 = arith.constant 0 : i32
        %dma_start3A_209 = tpu.memref_slice %arg3[%dma_start3A_207, %dma_start3A_208] : memref<1000000x64xf32, #tpu.memory_space<hbm>> -> memref<1000000x64xf32, #tpu.memory_space<hbm>>
        tpu.enqueue_indirect_dma source(%dma_start3A_209 : memref<1000000x64xf32, #tpu.memory_space<hbm>>) target(%arg7 : memref<128x64xf32, #tpu.memory_space<vmem>>) offsets(%dma_start3A_206 : memref<128xi32, #tpu.memory_space<vmem>>) semaphore(%arg15 : memref<!tpu.dma_semaphore, #tpu.memory_space<semaphore_mem>>)
      } else {
      }
      %mul3A_129 = arith.constant 4 : i32
      %mul3A_130 = arith.muli %scan3A_59, %mul3A_129 : i32
      %add3A_131 = arith.constant 2 : i32
      %add3A_132 = arith.addi %mul3A_130, %add3A_131 : i32
      %dma_wait3A_133 = arith.constant 0 : i32
      %dma_wait3A_134 = tpu.memref_slice %arg5[%add3A_132, %dma_wait3A_133] : memref<200x128xi32, #tpu.memory_space<vmem>> -> memref<1x128xi32, #tpu.memory_space<vmem>>
      %dma_wait3A_135 = tpu.memref_squeeze %dma_wait3A_134 : memref<1x128xi32, #tpu.memory_space<vmem>> -> memref<128xi32, #tpu.memory_space<vmem>>
      %dma_wait3A_136 = arith.constant 0 : i32
      %dma_wait3A_137 = arith.constant 0 : i32
      %dma_wait3A_138 = tpu.memref_slice %arg3[%dma_wait3A_136, %dma_wait3A_137] : memref<1000000x64xf32, #tpu.memory_space<hbm>> -> memref<1000000x64xf32, #tpu.memory_space<hbm>>
      tpu.wait_indirect_dma semaphore(%arg16 : memref<!tpu.dma_semaphore, #tpu.memory_space<semaphore_mem>>) src(%dma_wait3A_138 : memref<1000000x64xf32, #tpu.memory_space<hbm>>) dst(%arg8 : memref<128x64xf32, #tpu.memory_space<vmem>>)
      %gt3A_139 = arith.constant 0 : i32
      %gt3A_140 = arith.cmpi sgt, %scan3A_59, %gt3A_139 : i32
      %convert_element_type3A_141 = arith.extui %gt3A_140 : i1 to i32
      %cond3A_142 = arith.constant 0 : i32
      %cond3A_143 = arith.cmpi ne, %convert_element_type3A_141, %cond3A_142 : i32
      scf.if %cond3A_143 {
        %sub3A = arith.constant 4 : i32
        %sub3A_202 = arith.subi %add3A_132, %sub3A : i32
        %mul3A_203 = arith.constant 128 : i32
        %mul3A_204 = arith.muli %sub3A_202, %mul3A_203 : i32
        %add3A_205 = arith.addi %mul3A_2, %mul3A_204 : i32
        %dma_wait3A_206 = arith.constant 0 : i32
        %dma_wait3A_207 = tpu.memref_slice %arg4[%add3A_205, %dma_wait3A_206] : memref<819200x64xf32, #tpu.memory_space<hbm>> -> memref<128x64xf32, #tpu.memory_space<hbm>>
        %dma_wait3A_208 = arith.constant 0 : i32
        %dma_wait3A_209 = tpu.memref_slice %arg4[%add3A_205, %dma_wait3A_208] : memref<819200x64xf32, #tpu.memory_space<hbm>> -> memref<128x64xf32, #tpu.memory_space<hbm>>
        tpu.wait_dma2 semaphore(%arg20 : memref<!tpu.dma_semaphore, #tpu.memory_space<semaphore_mem>>) src(%arg12 : memref<128x64xf32, #tpu.memory_space<vmem>>) dst(%dma_wait3A_209 : memref<128x64xf32, #tpu.memory_space<hbm>>)
      } else {
      }
      %scan3A_144 = arith.constant 0 : i32
      %scan3A_145 = arith.constant 0 : i32
      %scan3A_146 = arith.constant 128 : i32
      %scan3A_147 = arith.addi %scan3A_145, %scan3A_146 : i32
      %scan3A_148 = arith.constant 2 : i32
      %scan3A_149 = scf.for %scan3A_202 = %scan3A_145 to %scan3A_147 step %scan3A_148 iter_args(%scan3A_203 = %scan3A_144) -> (i32)  : i32 {
        %get3A = arith.constant 0 : i32
        %get3A_204 = tpu.memref_slice %arg8[%scan3A_202, %get3A] : memref<128x64xf32, #tpu.memory_space<vmem>> -> memref<1x64xf32, #tpu.memory_space<vmem>>
        %get3A_205 = tpu.memref_squeeze %get3A_204 : memref<1x64xf32, #tpu.memory_space<vmem>> -> memref<64xf32, #tpu.memory_space<vmem>>
        %get3A_206 = arith.constant 0 : index
        %get3A_207 = tpu.vector_load %get3A_205[%get3A_206] {strides = array<i32>} : memref<64xf32, #tpu.memory_space<vmem>>, vector<16xf32>,
        %get3A_208 = vector.shape_cast %get3A_207 : vector<16xf32> to vector<16xf32>
        %mul3A_209 = arith.constant 8.000000e+00 : f32
        %mul3A_210 = vector.broadcast %mul3A_209 : f32 to vector<16xf32>
        %mul3A_211 = arith.mulf %get3A_208, %mul3A_210 : vector<16xf32>
        %swap3A = arith.constant 0 : i32
        %swap3A_212 = tpu.memref_slice %arg12[%scan3A_202, %swap3A] : memref<128x64xf32, #tpu.memory_space<vmem>> -> memref<1x64xf32, #tpu.memory_space<vmem>>
        %swap3A_213 = tpu.memref_squeeze %swap3A_212 : memref<1x64xf32, #tpu.memory_space<vmem>> -> memref<64xf32, #tpu.memory_space<vmem>>
        %swap3A_214 = arith.constant 0 : index
        %swap3A_215 = tpu.vector_load %swap3A_213[%swap3A_214] {strides = array<i32>} : memref<64xf32, #tpu.memory_space<vmem>>, vector<16xf32>,
        %swap3A_216 = vector.shape_cast %swap3A_215 : vector<16xf32> to vector<16xf32>
        %swap3A_217 = vector.shape_cast %mul3A_211 : vector<16xf32> to vector<16xf32>
        tpu.vector_store %swap3A_213[%swap3A_214], %swap3A_217 {strides = array<i32>} : memref<64xf32, #tpu.memory_space<vmem>>, vector<16xf32>,
        %get3A_218 = arith.constant 0 : i32
        %get3A_219 = tpu.memref_slice %arg8[%scan3A_202, %get3A_218] : memref<128x64xf32, #tpu.memory_space<vmem>> -> memref<1x64xf32, #tpu.memory_space<vmem>>
        %get3A_220 = tpu.memref_squeeze %get3A_219 : memref<1x64xf32, #tpu.memory_space<vmem>> -> memref<64xf32, #tpu.memory_space<vmem>>
        %get3A_221 = arith.constant 16 : index
        %get3A_222 = tpu.vector_load %get3A_220[%get3A_221] {strides = array<i32>} : memref<64xf32, #tpu.memory_space<vmem>>, vector<16xf32>,
        %get3A_223 = vector.shape_cast %get3A_222 : vector<16xf32> to vector<16xf32>
        %mul3A_224 = arith.constant 8.000000e+00 : f32
        %mul3A_225 = vector.broadcast %mul3A_224 : f32 to vector<16xf32>
        %mul3A_226 = arith.mulf %get3A_223, %mul3A_225 : vector<16xf32>
        %swap3A_227 = arith.constant 0 : i32
        %swap3A_228 = tpu.memref_slice %arg12[%scan3A_202, %swap3A_227] : memref<128x64xf32, #tpu.memory_space<vmem>> -> memref<1x64xf32, #tpu.memory_space<vmem>>
        %swap3A_229 = tpu.memref_squeeze %swap3A_228 : memref<1x64xf32, #tpu.memory_space<vmem>> -> memref<64xf32, #tpu.memory_space<vmem>>
        %swap3A_230 = arith.constant 16 : index
        %swap3A_231 = tpu.vector_load %swap3A_229[%swap3A_230] {strides = array<i32>} : memref<64xf32, #tpu.memory_space<vmem>>, vector<16xf32>,
        %swap3A_232 = vector.shape_cast %swap3A_231 : vector<16xf32> to vector<16xf32>
        %swap3A_233 = vector.shape_cast %mul3A_226 : vector<16xf32> to vector<16xf32>
        tpu.vector_store %swap3A_229[%swap3A_230], %swap3A_233 {strides = array<i32>} : memref<64xf32, #tpu.memory_space<vmem>>, vector<16xf32>,
        %get3A_234 = arith.constant 0 : i32
        %get3A_235 = tpu.memref_slice %arg8[%scan3A_202, %get3A_234] : memref<128x64xf32, #tpu.memory_space<vmem>> -> memref<1x64xf32, #tpu.memory_space<vmem>>
        %get3A_236 = tpu.memref_squeeze %get3A_235 : memref<1x64xf32, #tpu.memory_space<vmem>> -> memref<64xf32, #tpu.memory_space<vmem>>
        %get3A_237 = arith.constant 32 : index
        %get3A_238 = tpu.vector_load %get3A_236[%get3A_237] {strides = array<i32>} : memref<64xf32, #tpu.memory_space<vmem>>, vector<16xf32>,
        %get3A_239 = vector.shape_cast %get3A_238 : vector<16xf32> to vector<16xf32>
        %mul3A_240 = arith.constant 8.000000e+00 : f32
        %mul3A_241 = vector.broadcast %mul3A_240 : f32 to vector<16xf32>
        %mul3A_242 = arith.mulf %get3A_239, %mul3A_241 : vector<16xf32>
        %swap3A_243 = arith.constant 0 : i32
        %swap3A_244 = tpu.memref_slice %arg12[%scan3A_202, %swap3A_243] : memref<128x64xf32, #tpu.memory_space<vmem>> -> memref<1x64xf32, #tpu.memory_space<vmem>>
        %swap3A_245 = tpu.memref_squeeze %swap3A_244 : memref<1x64xf32, #tpu.memory_space<vmem>> -> memref<64xf32, #tpu.memory_space<vmem>>
        %swap3A_246 = arith.constant 32 : index
        %swap3A_247 = tpu.vector_load %swap3A_245[%swap3A_246] {strides = array<i32>} : memref<64xf32, #tpu.memory_space<vmem>>, vector<16xf32>,
        %swap3A_248 = vector.shape_cast %swap3A_247 : vector<16xf32> to vector<16xf32>
        %swap3A_249 = vector.shape_cast %mul3A_242 : vector<16xf32> to vector<16xf32>
        tpu.vector_store %swap3A_245[%swap3A_246], %swap3A_249 {strides = array<i32>} : memref<64xf32, #tpu.memory_space<vmem>>, vector<16xf32>,
        %get3A_250 = arith.constant 0 : i32
        %get3A_251 = tpu.memref_slice %arg8[%scan3A_202, %get3A_250] : memref<128x64xf32, #tpu.memory_space<vmem>> -> memref<1x64xf32, #tpu.memory_space<vmem>>
        %get3A_252 = tpu.memref_squeeze %get3A_251 : memref<1x64xf32, #tpu.memory_space<vmem>> -> memref<64xf32, #tpu.memory_space<vmem>>
        %get3A_253 = arith.constant 48 : index
        %get3A_254 = tpu.vector_load %get3A_252[%get3A_253] {strides = array<i32>} : memref<64xf32, #tpu.memory_space<vmem>>, vector<16xf32>,
        %get3A_255 = vector.shape_cast %get3A_254 : vector<16xf32> to vector<16xf32>
        %mul3A_256 = arith.constant 8.000000e+00 : f32
        %mul3A_257 = vector.broadcast %mul3A_256 : f32 to vector<16xf32>
        %mul3A_258 = arith.mulf %get3A_255, %mul3A_257 : vector<16xf32>
        %swap3A_259 = arith.constant 0 : i32
        %swap3A_260 = tpu.memref_slice %arg12[%scan3A_202, %swap3A_259] : memref<128x64xf32, #tpu.memory_space<vmem>> -> memref<1x64xf32, #tpu.memory_space<vmem>>
        %swap3A_261 = tpu.memref_squeeze %swap3A_260 : memref<1x64xf32, #tpu.memory_space<vmem>> -> memref<64xf32, #tpu.memory_space<vmem>>
        %swap3A_262 = arith.constant 48 : index
        %swap3A_263 = tpu.vector_load %swap3A_261[%swap3A_262] {strides = array<i32>} : memref<64xf32, #tpu.memory_space<vmem>>, vector<16xf32>,
        %swap3A_264 = vector.shape_cast %swap3A_263 : vector<16xf32> to vector<16xf32>
        %swap3A_265 = vector.shape_cast %mul3A_258 : vector<16xf32> to vector<16xf32>
        tpu.vector_store %swap3A_261[%swap3A_262], %swap3A_265 {strides = array<i32>} : memref<64xf32, #tpu.memory_space<vmem>>, vector<16xf32>,
        %scan3A_266 = arith.constant 0 : i32
        %scan3A_267 = arith.constant 1 : i32
        %scan3A_268 = arith.addi %scan3A_202, %scan3A_267 : i32
        %get3A_269 = arith.constant 0 : i32
        %get3A_270 = tpu.memref_slice %arg8[%scan3A_268, %get3A_269] : memref<128x64xf32, #tpu.memory_space<vmem>> -> memref<1x64xf32, #tpu.memory_space<vmem>>
        %get3A_271 = tpu.memref_squeeze %get3A_270 : memref<1x64xf32, #tpu.memory_space<vmem>> -> memref<64xf32, #tpu.memory_space<vmem>>
        %get3A_272 = arith.constant 0 : index
        %get3A_273 = tpu.vector_load %get3A_271[%get3A_272] {strides = array<i32>} : memref<64xf32, #tpu.memory_space<vmem>>, vector<16xf32>,
        %get3A_274 = vector.shape_cast %get3A_273 : vector<16xf32> to vector<16xf32>
        %mul3A_275 = arith.constant 8.000000e+00 : f32
        %mul3A_276 = vector.broadcast %mul3A_275 : f32 to vector<16xf32>
        %mul3A_277 = arith.mulf %get3A_274, %mul3A_276 : vector<16xf32>
        %swap3A_278 = arith.constant 0 : i32
        %swap3A_279 = tpu.memref_slice %arg12[%scan3A_268, %swap3A_278] : memref<128x64xf32, #tpu.memory_space<vmem>> -> memref<1x64xf32, #tpu.memory_space<vmem>>
        %swap3A_280 = tpu.memref_squeeze %swap3A_279 : memref<1x64xf32, #tpu.memory_space<vmem>> -> memref<64xf32, #tpu.memory_space<vmem>>
        %swap3A_281 = arith.constant 0 : index
        %swap3A_282 = tpu.vector_load %swap3A_280[%swap3A_281] {strides = array<i32>} : memref<64xf32, #tpu.memory_space<vmem>>, vector<16xf32>,
        %swap3A_283 = vector.shape_cast %swap3A_282 : vector<16xf32> to vector<16xf32>
        %swap3A_284 = vector.shape_cast %mul3A_277 : vector<16xf32> to vector<16xf32>
        tpu.vector_store %swap3A_280[%swap3A_281], %swap3A_284 {strides = array<i32>} : memref<64xf32, #tpu.memory_space<vmem>>, vector<16xf32>,
        %get3A_285 = arith.constant 0 : i32
        %get3A_286 = tpu.memref_slice %arg8[%scan3A_268, %get3A_285] : memref<128x64xf32, #tpu.memory_space<vmem>> -> memref<1x64xf32, #tpu.memory_space<vmem>>
        %get3A_287 = tpu.memref_squeeze %get3A_286 : memref<1x64xf32, #tpu.memory_space<vmem>> -> memref<64xf32, #tpu.memory_space<vmem>>
        %get3A_288 = arith.constant 16 : index
        %get3A_289 = tpu.vector_load %get3A_287[%get3A_288] {strides = array<i32>} : memref<64xf32, #tpu.memory_space<vmem>>, vector<16xf32>,
        %get3A_290 = vector.shape_cast %get3A_289 : vector<16xf32> to vector<16xf32>
        %mul3A_291 = arith.constant 8.000000e+00 : f32
        %mul3A_292 = vector.broadcast %mul3A_291 : f32 to vector<16xf32>
        %mul3A_293 = arith.mulf %get3A_290, %mul3A_292 : vector<16xf32>
        %swap3A_294 = arith.constant 0 : i32
        %swap3A_295 = tpu.memref_slice %arg12[%scan3A_268, %swap3A_294] : memref<128x64xf32, #tpu.memory_space<vmem>> -> memref<1x64xf32, #tpu.memory_space<vmem>>
        %swap3A_296 = tpu.memref_squeeze %swap3A_295 : memref<1x64xf32, #tpu.memory_space<vmem>> -> memref<64xf32, #tpu.memory_space<vmem>>
        %swap3A_297 = arith.constant 16 : index
        %swap3A_298 = tpu.vector_load %swap3A_296[%swap3A_297] {strides = array<i32>} : memref<64xf32, #tpu.memory_space<vmem>>, vector<16xf32>,
        %swap3A_299 = vector.shape_cast %swap3A_298 : vector<16xf32> to vector<16xf32>
        %swap3A_300 = vector.shape_cast %mul3A_293 : vector<16xf32> to vector<16xf32>
        tpu.vector_store %swap3A_296[%swap3A_297], %swap3A_300 {strides = array<i32>} : memref<64xf32, #tpu.memory_space<vmem>>, vector<16xf32>,
        %get3A_301 = arith.constant 0 : i32
        %get3A_302 = tpu.memref_slice %arg8[%scan3A_268, %get3A_301] : memref<128x64xf32, #tpu.memory_space<vmem>> -> memref<1x64xf32, #tpu.memory_space<vmem>>
        %get3A_303 = tpu.memref_squeeze %get3A_302 : memref<1x64xf32, #tpu.memory_space<vmem>> -> memref<64xf32, #tpu.memory_space<vmem>>
        %get3A_304 = arith.constant 32 : index
        %get3A_305 = tpu.vector_load %get3A_303[%get3A_304] {strides = array<i32>} : memref<64xf32, #tpu.memory_space<vmem>>, vector<16xf32>,
        %get3A_306 = vector.shape_cast %get3A_305 : vector<16xf32> to vector<16xf32>
        %mul3A_307 = arith.constant 8.000000e+00 : f32
        %mul3A_308 = vector.broadcast %mul3A_307 : f32 to vector<16xf32>
        %mul3A_309 = arith.mulf %get3A_306, %mul3A_308 : vector<16xf32>
        %swap3A_310 = arith.constant 0 : i32
        %swap3A_311 = tpu.memref_slice %arg12[%scan3A_268, %swap3A_310] : memref<128x64xf32, #tpu.memory_space<vmem>> -> memref<1x64xf32, #tpu.memory_space<vmem>>
        %swap3A_312 = tpu.memref_squeeze %swap3A_311 : memref<1x64xf32, #tpu.memory_space<vmem>> -> memref<64xf32, #tpu.memory_space<vmem>>
        %swap3A_313 = arith.constant 32 : index
        %swap3A_314 = tpu.vector_load %swap3A_312[%swap3A_313] {strides = array<i32>} : memref<64xf32, #tpu.memory_space<vmem>>, vector<16xf32>,
        %swap3A_315 = vector.shape_cast %swap3A_314 : vector<16xf32> to vector<16xf32>
        %swap3A_316 = vector.shape_cast %mul3A_309 : vector<16xf32> to vector<16xf32>
        tpu.vector_store %swap3A_312[%swap3A_313], %swap3A_316 {strides = array<i32>} : memref<64xf32, #tpu.memory_space<vmem>>, vector<16xf32>,
        %get3A_317 = arith.constant 0 : i32
        %get3A_318 = tpu.memref_slice %arg8[%scan3A_268, %get3A_317] : memref<128x64xf32, #tpu.memory_space<vmem>> -> memref<1x64xf32, #tpu.memory_space<vmem>>
        %get3A_319 = tpu.memref_squeeze %get3A_318 : memref<1x64xf32, #tpu.memory_space<vmem>> -> memref<64xf32, #tpu.memory_space<vmem>>
        %get3A_320 = arith.constant 48 : index
        %get3A_321 = tpu.vector_load %get3A_319[%get3A_320] {strides = array<i32>} : memref<64xf32, #tpu.memory_space<vmem>>, vector<16xf32>,
        %get3A_322 = vector.shape_cast %get3A_321 : vector<16xf32> to vector<16xf32>
        %mul3A_323 = arith.constant 8.000000e+00 : f32
        %mul3A_324 = vector.broadcast %mul3A_323 : f32 to vector<16xf32>
        %mul3A_325 = arith.mulf %get3A_322, %mul3A_324 : vector<16xf32>
        %swap3A_326 = arith.constant 0 : i32
        %swap3A_327 = tpu.memref_slice %arg12[%scan3A_268, %swap3A_326] : memref<128x64xf32, #tpu.memory_space<vmem>> -> memref<1x64xf32, #tpu.memory_space<vmem>>
        %swap3A_328 = tpu.memref_squeeze %swap3A_327 : memref<1x64xf32, #tpu.memory_space<vmem>> -> memref<64xf32, #tpu.memory_space<vmem>>
        %swap3A_329 = arith.constant 48 : index
        %swap3A_330 = tpu.vector_load %swap3A_328[%swap3A_329] {strides = array<i32>} : memref<64xf32, #tpu.memory_space<vmem>>, vector<16xf32>,
        %swap3A_331 = vector.shape_cast %swap3A_330 : vector<16xf32> to vector<16xf32>
        %swap3A_332 = vector.shape_cast %mul3A_325 : vector<16xf32> to vector<16xf32>
        tpu.vector_store %swap3A_328[%swap3A_329], %swap3A_332 {strides = array<i32>} : memref<64xf32, #tpu.memory_space<vmem>>, vector<16xf32>,
        %scan3A_333 = arith.constant 0 : i32
        scf.yield %scan3A_333 : i32
      }
      %scan3A_150 = arith.constant 128 : i32
      %mul3A_151 = arith.constant 128 : i32
      %mul3A_152 = arith.muli %add3A_132, %mul3A_151 : i32
      %add3A_153 = arith.addi %mul3A_2, %mul3A_152 : i32
      %dma_start3A_154 = arith.constant 0 : i32
      %dma_start3A_155 = tpu.memref_slice %arg4[%add3A_153, %dma_start3A_154] : memref<819200x64xf32, #tpu.memory_space<hbm>> -> memref<128x64xf32, #tpu.memory_space<hbm>>
      %dma_start3A_156 = arith.constant 0 : i32
      %dma_start3A_157 = tpu.memref_slice %arg4[%add3A_153, %dma_start3A_156] : memref<819200x64xf32, #tpu.memory_space<hbm>> -> memref<128x64xf32, #tpu.memory_space<hbm>>
      tpu.enqueue_dma source(%arg12 : memref<128x64xf32, #tpu.memory_space<vmem>>) target(%dma_start3A_157 : memref<128x64xf32, #tpu.memory_space<hbm>>) target_semaphore(%arg20 : memref<!tpu.dma_semaphore, #tpu.memory_space<semaphore_mem>>)
      %add3A_158 = arith.constant 4 : i32
      %add3A_159 = arith.addi %add3A_132, %add3A_158 : i32
      %lt3A_160 = arith.constant 200 : i32
      %lt3A_161 = arith.cmpi slt, %add3A_159, %lt3A_160 : i32
      %convert_element_type3A_162 = arith.extui %lt3A_161 : i1 to i32
      %cond3A_163 = arith.constant 0 : i32
      %cond3A_164 = arith.cmpi ne, %convert_element_type3A_162, %cond3A_163 : i32
      scf.if %cond3A_164 {
        %add3A_202 = arith.constant 4 : i32
        %add3A_203 = arith.addi %add3A_132, %add3A_202 : i32
        %dma_start3A_204 = arith.constant 0 : i32
        %dma_start3A_205 = tpu.memref_slice %arg5[%add3A_203, %dma_start3A_204] : memref<200x128xi32, #tpu.memory_space<vmem>> -> memref<1x128xi32, #tpu.memory_space<vmem>>
        %dma_start3A_206 = tpu.memref_squeeze %dma_start3A_205 : memref<1x128xi32, #tpu.memory_space<vmem>> -> memref<128xi32, #tpu.memory_space<vmem>>
        %dma_start3A_207 = arith.constant 0 : i32
        %dma_start3A_208 = arith.constant 0 : i32
        %dma_start3A_209 = tpu.memref_slice %arg3[%dma_start3A_207, %dma_start3A_208] : memref<1000000x64xf32, #tpu.memory_space<hbm>> -> memref<1000000x64xf32, #tpu.memory_space<hbm>>
        tpu.enqueue_indirect_dma source(%dma_start3A_209 : memref<1000000x64xf32, #tpu.memory_space<hbm>>) target(%arg8 : memref<128x64xf32, #tpu.memory_space<vmem>>) offsets(%dma_start3A_206 : memref<128xi32, #tpu.memory_space<vmem>>) semaphore(%arg16 : memref<!tpu.dma_semaphore, #tpu.memory_space<semaphore_mem>>)
      } else {
      }
      %mul3A_165 = arith.constant 4 : i32
      %mul3A_166 = arith.muli %scan3A_59, %mul3A_165 : i32
      %add3A_167 = arith.constant 3 : i32
      %add3A_168 = arith.addi %mul3A_166, %add3A_167 : i32
      %dma_wait3A_169 = arith.constant 0 : i32
      %dma_wait3A_170 = tpu.memref_slice %arg5[%add3A_168, %dma_wait3A_169] : memref<200x128xi32, #tpu.memory_space<vmem>> -> memref<1x128xi32, #tpu.memory_space<vmem>>
      %dma_wait3A_171 = tpu.memref_squeeze %dma_wait3A_170 : memref<1x128xi32, #tpu.memory_space<vmem>> -> memref<128xi32, #tpu.memory_space<vmem>>
      %dma_wait3A_172 = arith.constant 0 : i32
      %dma_wait3A_173 = arith.constant 0 : i32
      %dma_wait3A_174 = tpu.memref_slice %arg3[%dma_wait3A_172, %dma_wait3A_173] : memref<1000000x64xf32, #tpu.memory_space<hbm>> -> memref<1000000x64xf32, #tpu.memory_space<hbm>>
      tpu.wait_indirect_dma semaphore(%arg17 : memref<!tpu.dma_semaphore, #tpu.memory_space<semaphore_mem>>) src(%dma_wait3A_174 : memref<1000000x64xf32, #tpu.memory_space<hbm>>) dst(%arg9 : memref<128x64xf32, #tpu.memory_space<vmem>>)
      %gt3A_175 = arith.constant 0 : i32
      %gt3A_176 = arith.cmpi sgt, %scan3A_59, %gt3A_175 : i32
      %convert_element_type3A_177 = arith.extui %gt3A_176 : i1 to i32
      %cond3A_178 = arith.constant 0 : i32
      %cond3A_179 = arith.cmpi ne, %convert_element_type3A_177, %cond3A_178 : i32
      scf.if %cond3A_179 {
        %sub3A = arith.constant 4 : i32
        %sub3A_202 = arith.subi %add3A_168, %sub3A : i32
        %mul3A_203 = arith.constant 128 : i32
        %mul3A_204 = arith.muli %sub3A_202, %mul3A_203 : i32
        %add3A_205 = arith.addi %mul3A_2, %mul3A_204 : i32
        %dma_wait3A_206 = arith.constant 0 : i32
        %dma_wait3A_207 = tpu.memref_slice %arg4[%add3A_205, %dma_wait3A_206] : memref<819200x64xf32, #tpu.memory_space<hbm>> -> memref<128x64xf32, #tpu.memory_space<hbm>>
        %dma_wait3A_208 = arith.constant 0 : i32
        %dma_wait3A_209 = tpu.memref_slice %arg4[%add3A_205, %dma_wait3A_208] : memref<819200x64xf32, #tpu.memory_space<hbm>> -> memref<128x64xf32, #tpu.memory_space<hbm>>
        tpu.wait_dma2 semaphore(%arg21 : memref<!tpu.dma_semaphore, #tpu.memory_space<semaphore_mem>>) src(%arg13 : memref<128x64xf32, #tpu.memory_space<vmem>>) dst(%dma_wait3A_209 : memref<128x64xf32, #tpu.memory_space<hbm>>)
      } else {
      }
      %scan3A_180 = arith.constant 0 : i32
      %scan3A_181 = arith.constant 0 : i32
      %scan3A_182 = arith.constant 128 : i32
      %scan3A_183 = arith.addi %scan3A_181, %scan3A_182 : i32
      %scan3A_184 = arith.constant 2 : i32
      %scan3A_185 = scf.for %scan3A_202 = %scan3A_181 to %scan3A_183 step %scan3A_184 iter_args(%scan3A_203 = %scan3A_180) -> (i32)  : i32 {
        %get3A = arith.constant 0 : i32
        %get3A_204 = tpu.memref_slice %arg9[%scan3A_202, %get3A] : memref<128x64xf32, #tpu.memory_space<vmem>> -> memref<1x64xf32, #tpu.memory_space<vmem>>
        %get3A_205 = tpu.memref_squeeze %get3A_204 : memref<1x64xf32, #tpu.memory_space<vmem>> -> memref<64xf32, #tpu.memory_space<vmem>>
        %get3A_206 = arith.constant 0 : index
        %get3A_207 = tpu.vector_load %get3A_205[%get3A_206] {strides = array<i32>} : memref<64xf32, #tpu.memory_space<vmem>>, vector<16xf32>,
        %get3A_208 = vector.shape_cast %get3A_207 : vector<16xf32> to vector<16xf32>
        %mul3A_209 = arith.constant 8.000000e+00 : f32
        %mul3A_210 = vector.broadcast %mul3A_209 : f32 to vector<16xf32>
        %mul3A_211 = arith.mulf %get3A_208, %mul3A_210 : vector<16xf32>
        %swap3A = arith.constant 0 : i32
        %swap3A_212 = tpu.memref_slice %arg13[%scan3A_202, %swap3A] : memref<128x64xf32, #tpu.memory_space<vmem>> -> memref<1x64xf32, #tpu.memory_space<vmem>>
        %swap3A_213 = tpu.memref_squeeze %swap3A_212 : memref<1x64xf32, #tpu.memory_space<vmem>> -> memref<64xf32, #tpu.memory_space<vmem>>
        %swap3A_214 = arith.constant 0 : index
        %swap3A_215 = tpu.vector_load %swap3A_213[%swap3A_214] {strides = array<i32>} : memref<64xf32, #tpu.memory_space<vmem>>, vector<16xf32>,
        %swap3A_216 = vector.shape_cast %swap3A_215 : vector<16xf32> to vector<16xf32>
        %swap3A_217 = vector.shape_cast %mul3A_211 : vector<16xf32> to vector<16xf32>
        tpu.vector_store %swap3A_213[%swap3A_214], %swap3A_217 {strides = array<i32>} : memref<64xf32, #tpu.memory_space<vmem>>, vector<16xf32>,
        %get3A_218 = arith.constant 0 : i32
        %get3A_219 = tpu.memref_slice %arg9[%scan3A_202, %get3A_218] : memref<128x64xf32, #tpu.memory_space<vmem>> -> memref<1x64xf32, #tpu.memory_space<vmem>>
        %get3A_220 = tpu.memref_squeeze %get3A_219 : memref<1x64xf32, #tpu.memory_space<vmem>> -> memref<64xf32, #tpu.memory_space<vmem>>
        %get3A_221 = arith.constant 16 : index
        %get3A_222 = tpu.vector_load %get3A_220[%get3A_221] {strides = array<i32>} : memref<64xf32, #tpu.memory_space<vmem>>, vector<16xf32>,
        %get3A_223 = vector.shape_cast %get3A_222 : vector<16xf32> to vector<16xf32>
        %mul3A_224 = arith.constant 8.000000e+00 : f32
        %mul3A_225 = vector.broadcast %mul3A_224 : f32 to vector<16xf32>
        %mul3A_226 = arith.mulf %get3A_223, %mul3A_225 : vector<16xf32>
        %swap3A_227 = arith.constant 0 : i32
        %swap3A_228 = tpu.memref_slice %arg13[%scan3A_202, %swap3A_227] : memref<128x64xf32, #tpu.memory_space<vmem>> -> memref<1x64xf32, #tpu.memory_space<vmem>>
        %swap3A_229 = tpu.memref_squeeze %swap3A_228 : memref<1x64xf32, #tpu.memory_space<vmem>> -> memref<64xf32, #tpu.memory_space<vmem>>
        %swap3A_230 = arith.constant 16 : index
        %swap3A_231 = tpu.vector_load %swap3A_229[%swap3A_230] {strides = array<i32>} : memref<64xf32, #tpu.memory_space<vmem>>, vector<16xf32>,
        %swap3A_232 = vector.shape_cast %swap3A_231 : vector<16xf32> to vector<16xf32>
        %swap3A_233 = vector.shape_cast %mul3A_226 : vector<16xf32> to vector<16xf32>
        tpu.vector_store %swap3A_229[%swap3A_230], %swap3A_233 {strides = array<i32>} : memref<64xf32, #tpu.memory_space<vmem>>, vector<16xf32>,
        %get3A_234 = arith.constant 0 : i32
        %get3A_235 = tpu.memref_slice %arg9[%scan3A_202, %get3A_234] : memref<128x64xf32, #tpu.memory_space<vmem>> -> memref<1x64xf32, #tpu.memory_space<vmem>>
        %get3A_236 = tpu.memref_squeeze %get3A_235 : memref<1x64xf32, #tpu.memory_space<vmem>> -> memref<64xf32, #tpu.memory_space<vmem>>
        %get3A_237 = arith.constant 32 : index
        %get3A_238 = tpu.vector_load %get3A_236[%get3A_237] {strides = array<i32>} : memref<64xf32, #tpu.memory_space<vmem>>, vector<16xf32>,
        %get3A_239 = vector.shape_cast %get3A_238 : vector<16xf32> to vector<16xf32>
        %mul3A_240 = arith.constant 8.000000e+00 : f32
        %mul3A_241 = vector.broadcast %mul3A_240 : f32 to vector<16xf32>
        %mul3A_242 = arith.mulf %get3A_239, %mul3A_241 : vector<16xf32>
        %swap3A_243 = arith.constant 0 : i32
        %swap3A_244 = tpu.memref_slice %arg13[%scan3A_202, %swap3A_243] : memref<128x64xf32, #tpu.memory_space<vmem>> -> memref<1x64xf32, #tpu.memory_space<vmem>>
        %swap3A_245 = tpu.memref_squeeze %swap3A_244 : memref<1x64xf32, #tpu.memory_space<vmem>> -> memref<64xf32, #tpu.memory_space<vmem>>
        %swap3A_246 = arith.constant 32 : index
        %swap3A_247 = tpu.vector_load %swap3A_245[%swap3A_246] {strides = array<i32>} : memref<64xf32, #tpu.memory_space<vmem>>, vector<16xf32>,
        %swap3A_248 = vector.shape_cast %swap3A_247 : vector<16xf32> to vector<16xf32>
        %swap3A_249 = vector.shape_cast %mul3A_242 : vector<16xf32> to vector<16xf32>
        tpu.vector_store %swap3A_245[%swap3A_246], %swap3A_249 {strides = array<i32>} : memref<64xf32, #tpu.memory_space<vmem>>, vector<16xf32>,
        %get3A_250 = arith.constant 0 : i32
        %get3A_251 = tpu.memref_slice %arg9[%scan3A_202, %get3A_250] : memref<128x64xf32, #tpu.memory_space<vmem>> -> memref<1x64xf32, #tpu.memory_space<vmem>>
        %get3A_252 = tpu.memref_squeeze %get3A_251 : memref<1x64xf32, #tpu.memory_space<vmem>> -> memref<64xf32, #tpu.memory_space<vmem>>
        %get3A_253 = arith.constant 48 : index
        %get3A_254 = tpu.vector_load %get3A_252[%get3A_253] {strides = array<i32>} : memref<64xf32, #tpu.memory_space<vmem>>, vector<16xf32>,
        %get3A_255 = vector.shape_cast %get3A_254 : vector<16xf32> to vector<16xf32>
        %mul3A_256 = arith.constant 8.000000e+00 : f32
        %mul3A_257 = vector.broadcast %mul3A_256 : f32 to vector<16xf32>
        %mul3A_258 = arith.mulf %get3A_255, %mul3A_257 : vector<16xf32>
        %swap3A_259 = arith.constant 0 : i32
        %swap3A_260 = tpu.memref_slice %arg13[%scan3A_202, %swap3A_259] : memref<128x64xf32, #tpu.memory_space<vmem>> -> memref<1x64xf32, #tpu.memory_space<vmem>>
        %swap3A_261 = tpu.memref_squeeze %swap3A_260 : memref<1x64xf32, #tpu.memory_space<vmem>> -> memref<64xf32, #tpu.memory_space<vmem>>
        %swap3A_262 = arith.constant 48 : index
        %swap3A_263 = tpu.vector_load %swap3A_261[%swap3A_262] {strides = array<i32>} : memref<64xf32, #tpu.memory_space<vmem>>, vector<16xf32>,
        %swap3A_264 = vector.shape_cast %swap3A_263 : vector<16xf32> to vector<16xf32>
        %swap3A_265 = vector.shape_cast %mul3A_258 : vector<16xf32> to vector<16xf32>
        tpu.vector_store %swap3A_261[%swap3A_262], %swap3A_265 {strides = array<i32>} : memref<64xf32, #tpu.memory_space<vmem>>, vector<16xf32>,
        %scan3A_266 = arith.constant 0 : i32
        %scan3A_267 = arith.constant 1 : i32
        %scan3A_268 = arith.addi %scan3A_202, %scan3A_267 : i32
        %get3A_269 = arith.constant 0 : i32
        %get3A_270 = tpu.memref_slice %arg9[%scan3A_268, %get3A_269] : memref<128x64xf32, #tpu.memory_space<vmem>> -> memref<1x64xf32, #tpu.memory_space<vmem>>
        %get3A_271 = tpu.memref_squeeze %get3A_270 : memref<1x64xf32, #tpu.memory_space<vmem>> -> memref<64xf32, #tpu.memory_space<vmem>>
        %get3A_272 = arith.constant 0 : index
        %get3A_273 = tpu.vector_load %get3A_271[%get3A_272] {strides = array<i32>} : memref<64xf32, #tpu.memory_space<vmem>>, vector<16xf32>,
        %get3A_274 = vector.shape_cast %get3A_273 : vector<16xf32> to vector<16xf32>
        %mul3A_275 = arith.constant 8.000000e+00 : f32
        %mul3A_276 = vector.broadcast %mul3A_275 : f32 to vector<16xf32>
        %mul3A_277 = arith.mulf %get3A_274, %mul3A_276 : vector<16xf32>
        %swap3A_278 = arith.constant 0 : i32
        %swap3A_279 = tpu.memref_slice %arg13[%scan3A_268, %swap3A_278] : memref<128x64xf32, #tpu.memory_space<vmem>> -> memref<1x64xf32, #tpu.memory_space<vmem>>
        %swap3A_280 = tpu.memref_squeeze %swap3A_279 : memref<1x64xf32, #tpu.memory_space<vmem>> -> memref<64xf32, #tpu.memory_space<vmem>>
        %swap3A_281 = arith.constant 0 : index
        %swap3A_282 = tpu.vector_load %swap3A_280[%swap3A_281] {strides = array<i32>} : memref<64xf32, #tpu.memory_space<vmem>>, vector<16xf32>,
        %swap3A_283 = vector.shape_cast %swap3A_282 : vector<16xf32> to vector<16xf32>
        %swap3A_284 = vector.shape_cast %mul3A_277 : vector<16xf32> to vector<16xf32>
        tpu.vector_store %swap3A_280[%swap3A_281], %swap3A_284 {strides = array<i32>} : memref<64xf32, #tpu.memory_space<vmem>>, vector<16xf32>,
        %get3A_285 = arith.constant 0 : i32
        %get3A_286 = tpu.memref_slice %arg9[%scan3A_268, %get3A_285] : memref<128x64xf32, #tpu.memory_space<vmem>> -> memref<1x64xf32, #tpu.memory_space<vmem>>
        %get3A_287 = tpu.memref_squeeze %get3A_286 : memref<1x64xf32, #tpu.memory_space<vmem>> -> memref<64xf32, #tpu.memory_space<vmem>>
        %get3A_288 = arith.constant 16 : index
        %get3A_289 = tpu.vector_load %get3A_287[%get3A_288] {strides = array<i32>} : memref<64xf32, #tpu.memory_space<vmem>>, vector<16xf32>,
        %get3A_290 = vector.shape_cast %get3A_289 : vector<16xf32> to vector<16xf32>
        %mul3A_291 = arith.constant 8.000000e+00 : f32
        %mul3A_292 = vector.broadcast %mul3A_291 : f32 to vector<16xf32>
        %mul3A_293 = arith.mulf %get3A_290, %mul3A_292 : vector<16xf32>
        %swap3A_294 = arith.constant 0 : i32
        %swap3A_295 = tpu.memref_slice %arg13[%scan3A_268, %swap3A_294] : memref<128x64xf32, #tpu.memory_space<vmem>> -> memref<1x64xf32, #tpu.memory_space<vmem>>
        %swap3A_296 = tpu.memref_squeeze %swap3A_295 : memref<1x64xf32, #tpu.memory_space<vmem>> -> memref<64xf32, #tpu.memory_space<vmem>>
        %swap3A_297 = arith.constant 16 : index
        %swap3A_298 = tpu.vector_load %swap3A_296[%swap3A_297] {strides = array<i32>} : memref<64xf32, #tpu.memory_space<vmem>>, vector<16xf32>,
        %swap3A_299 = vector.shape_cast %swap3A_298 : vector<16xf32> to vector<16xf32>
        %swap3A_300 = vector.shape_cast %mul3A_293 : vector<16xf32> to vector<16xf32>
        tpu.vector_store %swap3A_296[%swap3A_297], %swap3A_300 {strides = array<i32>} : memref<64xf32, #tpu.memory_space<vmem>>, vector<16xf32>,
        %get3A_301 = arith.constant 0 : i32
        %get3A_302 = tpu.memref_slice %arg9[%scan3A_268, %get3A_301] : memref<128x64xf32, #tpu.memory_space<vmem>> -> memref<1x64xf32, #tpu.memory_space<vmem>>
        %get3A_303 = tpu.memref_squeeze %get3A_302 : memref<1x64xf32, #tpu.memory_space<vmem>> -> memref<64xf32, #tpu.memory_space<vmem>>
        %get3A_304 = arith.constant 32 : index
        %get3A_305 = tpu.vector_load %get3A_303[%get3A_304] {strides = array<i32>} : memref<64xf32, #tpu.memory_space<vmem>>, vector<16xf32>,
        %get3A_306 = vector.shape_cast %get3A_305 : vector<16xf32> to vector<16xf32>
        %mul3A_307 = arith.constant 8.000000e+00 : f32
        %mul3A_308 = vector.broadcast %mul3A_307 : f32 to vector<16xf32>
        %mul3A_309 = arith.mulf %get3A_306, %mul3A_308 : vector<16xf32>
        %swap3A_310 = arith.constant 0 : i32
        %swap3A_311 = tpu.memref_slice %arg13[%scan3A_268, %swap3A_310] : memref<128x64xf32, #tpu.memory_space<vmem>> -> memref<1x64xf32, #tpu.memory_space<vmem>>
        %swap3A_312 = tpu.memref_squeeze %swap3A_311 : memref<1x64xf32, #tpu.memory_space<vmem>> -> memref<64xf32, #tpu.memory_space<vmem>>
        %swap3A_313 = arith.constant 32 : index
        %swap3A_314 = tpu.vector_load %swap3A_312[%swap3A_313] {strides = array<i32>} : memref<64xf32, #tpu.memory_space<vmem>>, vector<16xf32>,
        %swap3A_315 = vector.shape_cast %swap3A_314 : vector<16xf32> to vector<16xf32>
        %swap3A_316 = vector.shape_cast %mul3A_309 : vector<16xf32> to vector<16xf32>
        tpu.vector_store %swap3A_312[%swap3A_313], %swap3A_316 {strides = array<i32>} : memref<64xf32, #tpu.memory_space<vmem>>, vector<16xf32>,
        %get3A_317 = arith.constant 0 : i32
        %get3A_318 = tpu.memref_slice %arg9[%scan3A_268, %get3A_317] : memref<128x64xf32, #tpu.memory_space<vmem>> -> memref<1x64xf32, #tpu.memory_space<vmem>>
        %get3A_319 = tpu.memref_squeeze %get3A_318 : memref<1x64xf32, #tpu.memory_space<vmem>> -> memref<64xf32, #tpu.memory_space<vmem>>
        %get3A_320 = arith.constant 48 : index
        %get3A_321 = tpu.vector_load %get3A_319[%get3A_320] {strides = array<i32>} : memref<64xf32, #tpu.memory_space<vmem>>, vector<16xf32>,
        %get3A_322 = vector.shape_cast %get3A_321 : vector<16xf32> to vector<16xf32>
        %mul3A_323 = arith.constant 8.000000e+00 : f32
        %mul3A_324 = vector.broadcast %mul3A_323 : f32 to vector<16xf32>
        %mul3A_325 = arith.mulf %get3A_322, %mul3A_324 : vector<16xf32>
        %swap3A_326 = arith.constant 0 : i32
        %swap3A_327 = tpu.memref_slice %arg13[%scan3A_268, %swap3A_326] : memref<128x64xf32, #tpu.memory_space<vmem>> -> memref<1x64xf32, #tpu.memory_space<vmem>>
        %swap3A_328 = tpu.memref_squeeze %swap3A_327 : memref<1x64xf32, #tpu.memory_space<vmem>> -> memref<64xf32, #tpu.memory_space<vmem>>
        %swap3A_329 = arith.constant 48 : index
        %swap3A_330 = tpu.vector_load %swap3A_328[%swap3A_329] {strides = array<i32>} : memref<64xf32, #tpu.memory_space<vmem>>, vector<16xf32>,
        %swap3A_331 = vector.shape_cast %swap3A_330 : vector<16xf32> to vector<16xf32>
        %swap3A_332 = vector.shape_cast %mul3A_325 : vector<16xf32> to vector<16xf32>
        tpu.vector_store %swap3A_328[%swap3A_329], %swap3A_332 {strides = array<i32>} : memref<64xf32, #tpu.memory_space<vmem>>, vector<16xf32>,
        %scan3A_333 = arith.constant 0 : i32
        scf.yield %scan3A_333 : i32
      }
      %scan3A_186 = arith.constant 128 : i32
      %mul3A_187 = arith.constant 128 : i32
      %mul3A_188 = arith.muli %add3A_168, %mul3A_187 : i32
      %add3A_189 = arith.addi %mul3A_2, %mul3A_188 : i32
      %dma_start3A_190 = arith.constant 0 : i32
      %dma_start3A_191 = tpu.memref_slice %arg4[%add3A_189, %dma_start3A_190] : memref<819200x64xf32, #tpu.memory_space<hbm>> -> memref<128x64xf32, #tpu.memory_space<hbm>>
      %dma_start3A_192 = arith.constant 0 : i32
      %dma_start3A_193 = tpu.memref_slice %arg4[%add3A_189, %dma_start3A_192] : memref<819200x64xf32, #tpu.memory_space<hbm>> -> memref<128x64xf32, #tpu.memory_space<hbm>>
      tpu.enqueue_dma source(%arg13 : memref<128x64xf32, #tpu.memory_space<vmem>>) target(%dma_start3A_193 : memref<128x64xf32, #tpu.memory_space<hbm>>) target_semaphore(%arg21 : memref<!tpu.dma_semaphore, #tpu.memory_space<semaphore_mem>>)
      %add3A_194 = arith.constant 4 : i32
      %add3A_195 = arith.addi %add3A_168, %add3A_194 : i32
      %lt3A_196 = arith.constant 200 : i32
      %lt3A_197 = arith.cmpi slt, %add3A_195, %lt3A_196 : i32
      %convert_element_type3A_198 = arith.extui %lt3A_197 : i1 to i32
      %cond3A_199 = arith.constant 0 : i32
      %cond3A_200 = arith.cmpi ne, %convert_element_type3A_198, %cond3A_199 : i32
      scf.if %cond3A_200 {
        %add3A_202 = arith.constant 4 : i32
        %add3A_203 = arith.addi %add3A_168, %add3A_202 : i32
        %dma_start3A_204 = arith.constant 0 : i32
        %dma_start3A_205 = tpu.memref_slice %arg5[%add3A_203, %dma_start3A_204] : memref<200x128xi32, #tpu.memory_space<vmem>> -> memref<1x128xi32, #tpu.memory_space<vmem>>
        %dma_start3A_206 = tpu.memref_squeeze %dma_start3A_205 : memref<1x128xi32, #tpu.memory_space<vmem>> -> memref<128xi32, #tpu.memory_space<vmem>>
        %dma_start3A_207 = arith.constant 0 : i32
        %dma_start3A_208 = arith.constant 0 : i32
        %dma_start3A_209 = tpu.memref_slice %arg3[%dma_start3A_207, %dma_start3A_208] : memref<1000000x64xf32, #tpu.memory_space<hbm>> -> memref<1000000x64xf32, #tpu.memory_space<hbm>>
        tpu.enqueue_indirect_dma source(%dma_start3A_209 : memref<1000000x64xf32, #tpu.memory_space<hbm>>) target(%arg9 : memref<128x64xf32, #tpu.memory_space<vmem>>) offsets(%dma_start3A_206 : memref<128xi32, #tpu.memory_space<vmem>>) semaphore(%arg17 : memref<!tpu.dma_semaphore, #tpu.memory_space<semaphore_mem>>)
      } else {
      }
      %scan3A_201 = arith.constant 0 : i32
      scf.yield %scan3A_201 : i32
    }
    %scan3A_35 = arith.constant 50 : i32
    %add3A_36 = arith.constant 25088 : i32
    %add3A_37 = arith.addi %mul3A_2, %add3A_36 : i32
    %dma_wait3A = arith.constant 0 : i32
    %dma_wait3A_38 = tpu.memref_slice %arg4[%add3A_37, %dma_wait3A] : memref<819200x64xf32, #tpu.memory_space<hbm>> -> memref<128x64xf32, #tpu.memory_space<hbm>>
    %dma_wait3A_39 = arith.constant 0 : i32
    %dma_wait3A_40 = tpu.memref_slice %arg4[%add3A_37, %dma_wait3A_39] : memref<819200x64xf32, #tpu.memory_space<hbm>> -> memref<128x64xf32, #tpu.memory_space<hbm>>
    tpu.wait_dma2 semaphore(%arg18 : memref<!tpu.dma_semaphore, #tpu.memory_space<semaphore_mem>>) src(%arg10 : memref<128x64xf32, #tpu.memory_space<vmem>>) dst(%dma_wait3A_40 : memref<128x64xf32, #tpu.memory_space<hbm>>)
    %add3A_41 = arith.constant 25216 : i32
    %add3A_42 = arith.addi %mul3A_2, %add3A_41 : i32
    %dma_wait3A_43 = arith.constant 0 : i32
    %dma_wait3A_44 = tpu.memref_slice %arg4[%add3A_42, %dma_wait3A_43] : memref<819200x64xf32, #tpu.memory_space<hbm>> -> memref<128x64xf32, #tpu.memory_space<hbm>>
    %dma_wait3A_45 = arith.constant 0 : i32
    %dma_wait3A_46 = tpu.memref_slice %arg4[%add3A_42, %dma_wait3A_45] : memref<819200x64xf32, #tpu.memory_space<hbm>> -> memref<128x64xf32, #tpu.memory_space<hbm>>
    tpu.wait_dma2 semaphore(%arg19 : memref<!tpu.dma_semaphore, #tpu.memory_space<semaphore_mem>>) src(%arg11 : memref<128x64xf32, #tpu.memory_space<vmem>>) dst(%dma_wait3A_46 : memref<128x64xf32, #tpu.memory_space<hbm>>)
    %add3A_47 = arith.constant 25344 : i32
    %add3A_48 = arith.addi %mul3A_2, %add3A_47 : i32
    %dma_wait3A_49 = arith.constant 0 : i32
    %dma_wait3A_50 = tpu.memref_slice %arg4[%add3A_48, %dma_wait3A_49] : memref<819200x64xf32, #tpu.memory_space<hbm>> -> memref<128x64xf32, #tpu.memory_space<hbm>>
    %dma_wait3A_51 = arith.constant 0 : i32
    %dma_wait3A_52 = tpu.memref_slice %arg4[%add3A_48, %dma_wait3A_51] : memref<819200x64xf32, #tpu.memory_space<hbm>> -> memref<128x64xf32, #tpu.memory_space<hbm>>
    tpu.wait_dma2 semaphore(%arg20 : memref<!tpu.dma_semaphore, #tpu.memory_space<semaphore_mem>>) src(%arg12 : memref<128x64xf32, #tpu.memory_space<vmem>>) dst(%dma_wait3A_52 : memref<128x64xf32, #tpu.memory_space<hbm>>)
    %add3A_53 = arith.constant 25472 : i32
    %add3A_54 = arith.addi %mul3A_2, %add3A_53 : i32
    %dma_wait3A_55 = arith.constant 0 : i32
    %dma_wait3A_56 = tpu.memref_slice %arg4[%add3A_54, %dma_wait3A_55] : memref<819200x64xf32, #tpu.memory_space<hbm>> -> memref<128x64xf32, #tpu.memory_space<hbm>>
    %dma_wait3A_57 = arith.constant 0 : i32
    %dma_wait3A_58 = tpu.memref_slice %arg4[%add3A_54, %dma_wait3A_57] : memref<819200x64xf32, #tpu.memory_space<hbm>> -> memref<128x64xf32, #tpu.memory_space<hbm>>
    tpu.wait_dma2 semaphore(%arg21 : memref<!tpu.dma_semaphore, #tpu.memory_space<semaphore_mem>>) src(%arg13 : memref<128x64xf32, #tpu.memory_space<vmem>>) dst(%dma_wait3A_58 : memref<128x64xf32, #tpu.memory_space<hbm>>)
    return
  }
}

</mosaic_0001>

<sc_bundles>
// kernel: kernel.3.cloned.1.call-start
scs
__scs_entry_jumppad:
0x0: {  	(pc) =	sbr.rel $0x88, $3  }
0x1: {  	(tag) =	ssettag $0x0;
	lr =	simm.s32 $0x1  }
0x2: {  	[smem:$0x3F9F] =	sst lr;
	_ =	strace $0xD0000000  }
0x3: {  	_ = 	snop  }
0x4: {  	_ = 	snop  }
0x5: {  	_ = 	snop  }
0x6: {  	_ = 	snop  }
0x7: {  	_ = 	snop  }
__scs_overlays_trampoline_lowered:
0x8: {  	[smem:$0x3FAE] =	sst s0  }
0x9: {  	[smem:$0x3FAF] =	sst s1  }
0xa: {  	[smem:$0x3FB0] =	sst s2  }
0xb: {  	[smem:$0x3FB1] =	sst s3  }
0xc: {  	[smem:$0x3FB2] =	sst s4  }
0xd: {  	[smem:$0x3FB3] =	sst s5  }
0xe: {  	[smem:$0x3FB4] =	sst s6  }
0xf: {  	[smem:$0x3FB5] =	sst s7  }
0x10: {  	[smem:$0x3FB6] =	sst s8  }
0x11: {  	[smem:$0x3FB7] =	sst s9;
	s0 =	simm.s32 @!p0 $0x0  }
0x12: {  	s1 =	sld [smem:$0x3F9D];
	s0 =	simm.s32 @p0 $0x1  }
0x13: {  	[smem:$0x3FB8] =	sst s0;
	s0 =	simm.s32 @!p1 $0x0  }
0x14: {  	s2 =	sld [smem:$0x3F9C];
	s0 =	simm.s32 @p1 $0x1  }
0x15: {  	[smem:$0x3FB9] =	sst s0;
	s0 =	simm.s32 @!p2 $0x0  }
0x16: {  	s3 =	sld [smem:$0x3FDB];
	s0 =	simm.s32 @p2 $0x1  }
0x17: {  	s4 =	simm.s32 $0x1BF5;
	[smem:$0x3FBB] =	sst s0  }
0x18: {  	s0 =	sld [smem:$0x3F9E];
	_ =	swait.ge [sflag:s4], $0x0  }
0x19: {  	s7 =	sld [smem:$0x3F9F]  }
0x1a: {  	s8 =	sadd.s32 $0xFFFFE003, lr  }
0x1b: {  	s9 =	sadd.s32 $0xFFFFFEF7, lr;
	s5 =	simm.s32 $0xFFFFFFFF;
	p2 =	slt.u32 s8, $0xFFFFF086  }
0x1c: {  	p1 =	slt.u32 s9, $0xF7A;
	s5 =	simm.s32 @!p2 $0x0  }
0x1d: {  	s5 =	simm.s32 @p1 $0x1;
	p0 =	seq.s32 s7, s2  }
0x1e: {  	s7 =	smul.u32 @!p0 $0xF7A, s2;
	p2 =	seq.s32 @!p0 s5, $0x0  }
0x1f: {  	s9 =	smul.u32 $0xF7A, s1;
	s8 =	simm.s32 @!p0 $0x1BF5;
	p2 =	por !p2, p0  }
0x20: {  	[sflag:s8] =	ssyncset.s32 @!p0 $0xFFFFF086;
	s6 =	sadd.s32 @!p0 s3, s7;
	s7 =	simm.s32 @!p0 $0x108  }
0x21: {  	s3 =	sadd.s32 s3, s9;
	s6 =	sadd.s32 @!p0 $0x88, s6;
	s7 =	simm.s32 @p2 $0x1082  }
0x22: {  	[simem:s7], [sflag:s8] =	dma.local @!p0 [hbm:s6], $0xF7A  }
0x23: {  	s9 =	sor.u32 $0xD0000000, s2;
	s6 =	simm.s32 $0x108;
	_ =	swait.ge @!p0 [sflag:s8], $0x0  }
0x24: {  	s3 =	sadd.s32 $0x88, s3;
	s6 =	simm.s32 @!p1 $0x1082;
	[sflag:s4] =	ssyncset.s32 $0xFFFFF086  }
0x25: {  	[simem:s6], [sflag:s4] =	dma.local [hbm:s3], $0xF7A  }
0x26: {  	[smem:$0x3F9F] =	sst s1;
	(tag) =	ssettag s2;
	_ =	strace s9  }
0x27: {  	s1 =	sld [smem:$0x3FAF]  }
0x28: {  	s2 =	sld [smem:$0x3FB0]  }
0x29: {  	s4 =	sld [smem:$0x3FB2]  }
0x2a: {  	p0 =	seq.s32 s5, $0x0;
	s5 =	sld [smem:$0x3FB3]  }
0x2b: {  	s6 =	sld [smem:$0x3FB4]  }
0x2c: {  	s7 =	sld [smem:$0x3FB5]  }
0x2d: {  	s3 =	simm.s32 $0x108;
	s8 =	sld [smem:$0x3FB6]  }
0x2e: {  	s3 =	simm.s32 @!p0 $0x1082;
	s9 =	sld [smem:$0x3FB7]  }
0x2f: {  	lr =	sadd.s32 s0, s3;
	s0 =	sld [smem:$0x3FAE]  }
0x30: {  	s3 =	sld [smem:$0x3FB1]  }
0x31: {  	[smem:$0x3FBA] =	sst s10  }
0x32: {  	s10 =	sld [smem:$0x3FB8];
	_ =	sdelay $0x3  }
0x33: {  	p0 =	seq.s32 s10, $0x1;
	s10 =	sld [smem:$0x3FBA];
	_ =	sdelay $0x3  }
0x34: {  	[smem:$0x3FBA] =	sst s10  }
0x35: {  	s10 =	sld [smem:$0x3FB9];
	_ =	sdelay $0x3  }
0x36: {  	p1 =	seq.s32 s10, $0x1;
	s10 =	sld [smem:$0x3FBA];
	_ =	sdelay $0x3  }
0x37: {  	[smem:$0x3FBA] =	sst s10  }
0x38: {  	s10 =	sld [smem:$0x3FBB]  }
0x39: {  	_ = 	snop;
	(pc) =	sbr.ind lr, $3  }
0x3a: {  	_ = 	snop  }
0x3b: {  	_ = 	snop  }
0x3c: {  	p2 =	seq.s32 s10, $0x1;
	s10 =	sld [smem:$0x3FBA]  }
0x3d: {  	_ =	shalt  }
0x3e: {  	_ =	shalt  }
0x3f: {  	_ =	shalt  }
0x40: {  	_ =	shalt  }
0x41: {  	_ =	shalt  }
0x42: {  	_ =	shalt  }
0x43: {  	_ =	shalt  }
0x44: {  	_ =	shalt  }
0x45: {  	_ =	shalt  }
0x46: {  	_ =	shalt  }
0x47: {  	_ =	shalt  }
0x48: {  	_ =	shalt  }
0x49: {  	_ =	shalt  }
0x4a: {  	_ =	shalt  }
0x4b: {  	_ =	shalt  }
0x4c: {  	_ =	shalt  }
0x4d: {  	_ =	shalt  }
0x4e: {  	_ =	shalt  }
0x4f: {  	_ =	shalt  }
0x50: {  	_ =	shalt  }
0x51: {  	_ =	shalt  }
0x52: {  	_ =	shalt  }
0x53: {  	_ =	shalt  }
0x54: {  	_ =	shalt  }
0x55: {  	_ =	shalt  }
0x56: {  	_ =	shalt  }
0x57: {  	_ =	shalt  }
0x58: {  	_ =	shalt  }
0x59: {  	_ =	shalt  }
0x5a: {  	_ =	shalt  }
0x5b: {  	_ =	shalt  }
0x5c: {  	_ =	shalt  }
0x5d: {  	_ =	shalt  }
0x5e: {  	_ =	shalt  }
0x5f: {  	_ =	shalt  }
0x60: {  	_ =	shalt  }
0x61: {  	_ =	shalt  }
0x62: {  	_ =	shalt  }
0x63: {  	_ =	shalt  }
0x64: {  	_ =	shalt  }
0x65: {  	_ =	shalt  }
0x66: {  	_ =	shalt  }
0x67: {  	_ =	shalt  }
0x68: {  	_ =	shalt  }
0x69: {  	_ =	shalt  }
0x6a: {  	_ =	shalt  }
0x6b: {  	_ =	shalt  }
0x6c: {  	_ =	shalt  }
0x6d: {  	_ =	shalt  }
0x6e: {  	_ =	shalt  }
0x6f: {  	_ =	shalt  }
0x70: {  	_ =	shalt  }
0x71: {  	_ =	shalt  }
0x72: {  	_ =	shalt  }
0x73: {  	_ =	shalt  }
0x74: {  	_ =	shalt  }
0x75: {  	_ =	shalt  }
0x76: {  	_ =	shalt  }
0x77: {  	_ =	shalt  }
0x78: {  	_ =	shalt  }
0x79: {  	_ =	shalt  }
0x7a: {  	_ =	shalt  }
0x7b: {  	_ =	shalt  }
0x7c: {  	_ =	shalt  }
0x7d: {  	_ =	shalt  }
0x7e: {  	_ =	shalt  }
0x7f: {  	_ =	shalt  }
0x80: {  	_ =	shalt  }
0x81: {  	_ =	shalt  }
0x82: {  	_ =	shalt  }
0x83: {  	_ =	shalt  }
0x84: {  	_ =	shalt  }
0x85: {  	_ =	shalt  }
0x86: {  	_ =	shalt  }
0x87: {  	_ =	shalt  }
.Lfunc_end0:
.L_simem_size_0:
called_computation.1_lowered:
.L_overlay_start_0:
0x88: {  	s2 =	sld [smem:$0x3FD9]  }
0x89: {  	s3 =	sld [smem:$0x3FFE];
	_ =	sdelay $0x1  }
0x8a: {  	s1 =	srdreg.scid  }
0x8b: {  	s0 =	sand.u32 $0x1, s1  }
0x8c: {  	s17 =	sshll.u32 s0, $0xA;
	s2 =	sadd.s32 s3, s2  }
0x8d: {  	s2 =	sadd.s32 s2, s17  }
0x8e: {  	[smem:$0x3FC6] =	sst s2  }
0x8f: {  	_ = 	snop  }
0x90: {  	s2 =	sld [smem:$0x3FD0];
	(tm) =	ssettm $0x1  }
0x91: {  	s18 =	sld [smem:$0x3FFB];
	_ =	sdelay $0x3  }
0x92: {  	_ =	strace s18  }
0x93: {  	s3 =	sld [smem:$0x3FFC];
	_ =	sdelay $0x3  }
0x94: {  	_ =	strace s3  }
0x95: {  	s3 =	sld [smem:$0x3FFD];
	_ =	sdelay $0x3  }
0x96: {  	_ =	strace s3  }
0x97: {  	_ =	strace $0x8FFFFFFF  }
0x98: {  	s19 =	sld [smem:$0x3FDB];
	_ =	sdelay $0x1  }
0x99: {  	s4 =	simm.s32 $_scs_section_size  }
0x9a: {  	s5 =	simm.s32 $_size__tile_overlayer_lowered;
	s6 =	simm.s32 $_tile_overlayer_lowered  }
0x9b: {  	s22 =	simm.s32 $0x1BFF;
	s21 =	sshll.u32 s6, $0x1;
	s3 =	sadd.s32 s4, s19  }
0x9c: {  	s7 =	simm.s32 $0x0;
	s20 =	sshll.u32 s5, $0x1;
	s5 =	sadd.s32 s21, s3  }
0x9d: {  	[timem:s7], [sflag:s22] =	dma.local [hbm:s5], s20  }
0x9e: {  	_ =	swait.ge [sflag:s22], s20  }
0x9f: {  	s4 =	ssub.s32 $0x0, s20;
	[sflag:s22] =	ssyncset.done $0x0  }
0xa0: {  	[sflag:s22] =	ssyncadd.s32 s4;
	_ =	sdelay $0x1  }
0xa1: {  	s23 =	simm.s32 $0x1B8B  }
0xa2: {  	_ =	swait.ge [sflag:s23], $0x1  }
0xa3: {  	[sflag:s23] =	ssyncset.done $0x0  }
0xa4: {  	s25 =	simm.s32 $0x1B8E;
	s24 =	sld [smem:$0x3FFE];
	[sflag:s23] =	ssyncadd.s32 $0xFFFFFFFF  }
0xa5: {  	s26 =	simm.s32 $execute0_lowered;
	[smem:$0x3FD2] =	sst s25  }
0xa6: {  	s5 =	sshll.u32 s26, $0x1;
	_ =	strace $0x80000046;
	[dreg:$0x1] =	wrdreg $0xFFFFFFFF  }
0xa7: {  	s28 =	simm.s32 $_size_execute0_lowered;
	s3 =	sadd.s32 s3, s5;
	[dreg:$0x0] =	wrdreg $0x0  }
0xa8: {  	s5 =	sshll.u32 s28, $0x1;
	[dreg:$0x2] =	wrdreg s3  }
0xa9: {  	[dreg:$0x3] =	wrdreg s5  }
0xaa: {  	[dreg:$0x4] =	wrdreg $0xC0  }
0xab: {  	_ =	task [dreg:s7], $0x5FFFF  }
0xac: {  	[dreg:$0x1] =	wrdreg $0xFFFFFFFF  }
0xad: {  	[dreg:$0x0] =	wrdreg $0x60  }
0xae: {  	[dreg:$0x2] =	wrdreg s24  }
0xaf: {  	[dreg:$0x3] =	wrdreg s2  }
0xb0: {  	[dreg:$0x4] =	wrdreg $0x9  }
0xb1: {  	_ =	task.clear_ibuf [dreg:s7], $0x5FFFF;
	_ =	strace $0x90000046  }
0xb2: {  	s29 =	simm.s32 $0x9;
	_ =	strace $0x80000048  }
0xb3: {  	_ =	swait.ge [sflag:s29], $0x1  }
0xb4: {  	[sflag:s29] =	ssyncadd.s32 $0xFFFFFFFF  }
0xb5: {  	_ =	strace $0x90000048  }
0xb6: {  	_ =	sfence  }
0xb7: {  	s30 =	sld [smem:$0x0];
	_ =	sdelay $0x2  }
0xb8: {  	s31 =	sshll.u32 s1, $0xD;
	s1 =	sshrl.u32 s1, $0x2  }
0xb9: {  	s3 =	sand.u32 $0x4000, s31;
	s1 =	sadd.s32 s1, s30  }
0xba: {  	s0 =	sor.u32 s3, s0;
	s1 =	sshll.u32 s1, $0x11  }
0xbb: {  	s0 =	sor.u32 s1, s0  }
0xbc: {  	s0 =	sadd.s32 $0x8F2B, s0  }
0xbd: {  	[sflag:s0] =	ssyncadd.remote.s32 $0x1  }
0xbe: {  	_ =	sfence.sel $0xFFFF  }
0xbf: {  	[dreg:$0x0] =	wrdreg $0xFFFFFFFF;
	(pc) =	sbr.abs _section_cstart, $3  }
0xc0: {  	[dreg:$0x1] =	wrdreg $0xFFFFFFFF  }
0xc1: {  	_ =	task.clear_ibuf [dreg:s7], $0x2FFFF;
	_ =	strace $0x9FFFFFFF  }
0xc2: {  	(tm) =	ssettm $0x7FFFFFFF  }
0xc3: {  	_ =	shalt  }
tec
execute0_lowered:
.L_overlay_start_1:
0x0: {  	(tag) =	ssettag $0x1  }
0x1: {  	s0 =	srdreg.scid;
	s2 =	stileid.u32  }
0x2: {  	s1 =	rddreg [dreg:$0x0];
	s12 =	simm.s32 $0x80;
	s13 =	simm.s32 $0x6400  }
0x3: {  	s14 =	simm.s32 $0x8400;
	s16 =	simm.s32 $0xA400;
	s18 =	simm.s32 $0xC400  }
0x4: {  	s19 =	simm.s32 $0x1;
	s20 =	simm.s32 $0xE400;
	s21 =	simm.s32 $0x2  }
0x5: {  	s22 =	simm.s32 $0x6;
	s23 =	simm.s32 $0x10400;
	s24 =	simm.s32 $0x3  }
0x6: {  	s25 =	simm.s32 $0x7;
	s28 =	simm.s32 $0x4;
	s29 =	simm.s32 $0x8  }
0x7: {  	s30 =	simm.s32 $0x14400;
	s0 =	sand.u32 $0x1, s0;
	s3 =	sshll.u32 s2, $0x1  }
0x8: {  	s31 =	simm.s32 $0x5;
	s5 =	sor.u32 s0, s3;
	s0 =	ssub.s32 $0x2, s0  }
0x9: {  	s3 =	simm.s32 $0x0;
	s9 =	smul.u32 $0x6400, s5;
	s6 =	sshrl.u32 s0, $0x1  }
0xa: {  	[smem:$0x7FF] =	sst s3;
	s0 =	ssub.s32 s0, s6;
	s6 =	smul.u32 $0x190000, s5  }
.Ltmp0:
0xb: {  	s2 =	rddreg [dreg:$0x1];
	_ =	strace $0x80000047;
	(pc) =	sbr.rel .LBB2_1-.Ltmp0, $4  }
0xc: {  	s4 =	sshrl.u32 s9, $0x3;
	s8 =	sor.u32 $0x100, s9;
	s0 =	smax.u32 s0, $0x1  }
0xd: {  	s7 =	sadd.s32 s4, s1;
	s4 =	sadd.s32 $0xF42E00, s1;
	[dreg:$0x4] =	wrdreg s0  }
0xe: {  	s1 =	simm.s32 $0x0;
	s26 =	sadd.s32 $0xA00, s7;
	s7 =	sor.u32 $0x80, s9  }
0xf: {  	s9 =	sor.u32 $0x180, s9;
	[dreg:$0x3] =	wrdreg s26;
	s26 =	simm.s32 $0x12400  }
.LBB2_24:
0x10: {  	_ =	swait.ge [sflag:s31], $0x2000  }
0x11: {  	[sflag:s31] =	ssyncset.done $0x0  }
0x12: {  	[sflag:s31] =	ssyncadd.s32 $0xFFFFE000  }
0x13: {  	_ =	swait.ge [sflag:s22], $0x2000  }
0x14: {  	[sflag:s22] =	ssyncset.done $0x0  }
0x15: {  	[sflag:s22] =	ssyncadd.s32 $0xFFFFE000  }
0x16: {  	_ =	swait.ge [sflag:s25], $0x2000  }
0x17: {  	[sflag:s25] =	ssyncset.done $0x0  }
0x18: {  	[sflag:s25] =	ssyncadd.s32 $0xFFFFE000  }
0x19: {  	_ =	swait.ge [sflag:s29], $0x2000  }
0x1a: {  	s1 =	sadd.s32 $0x1, s1;
	s0 =	rddreg [dreg:$0x4]  }
0x1b: {  	p0 =	sne.s32 s1, s0  }
.Ltmp1:
0x1c: {  	_ = 	snop;
	(pc) =	sbr.rel @!p0 .LBB2_25-.Ltmp1, $3  }
0x1d: {  	_ =	sdelay $0x1  }
0x1e: {  	[sflag:s29] =	ssyncset.done $0x0  }
0x1f: {  	[sflag:s29] =	ssyncadd.s32 $0xFFFFE000  }
.LBB2_1:
0x20: {  	s0 =	rddreg [dreg:$0x3];
	s11 =	simm.s32 $0x9  }
0x21: {  	[tilespmem:s3], [sflag:$0x9] =	stream.linear.gather [hbm4b:s0+s3], $0x6400, $0x38;
	[tilespmem:$0x16400] =	vst v63  }
0x22: {  	_ =	swait.ge [sflag:s11], $0x6400  }
0x23: {  	[sflag:s11] =	ssyncset.done $0x0  }
0x24: {  	[sflag:s11] =	ssyncadd.s32 $0xFFFF9C00  }
0x25: {  	[tilespmem:s13], [sflag:$0x1] =	stream.indirect.gather [hbm4b:s4+s12], $0x40, s3, s12, $0xb8;
	[tilespmem:$0x16400] =	vst v63  }
0x26: {  	_ = 	snop  }
0x27: {  	[tilespmem:s14], [sflag:$0x2] =	stream.indirect.gather [hbm4b:s4+s12], $0x40, s12, s12, $0xb8;
	[tilespmem:$0x16400] =	vst v63  }
0x28: {  	s15 =	simm.s32 $0x100  }
0x29: {  	[tilespmem:s16], [sflag:$0x3] =	stream.indirect.gather [hbm4b:s4+s12], $0x40, s15, s12, $0xb8;
	[tilespmem:$0x16400] =	vst v63  }
0x2a: {  	s17 =	simm.s32 $0x180;
	s0 =	simm.s32 $0x0  }
0x2b: {  	[tilespmem:s18], [sflag:$0x4] =	stream.indirect.gather [hbm4b:s4+s12], $0x40, s17, s12, $0xb8;
	[tilespmem:$0x16400] =	vst v63  }
.LBB2_2:
0x2c: {  	_ =	swait.ge [sflag:s19], $0x2000  }
0x2d: {  	p0 =	seq.s32 s0, $0x0;
	[sflag:s19] =	ssyncset.done $0x0  }
0x2e: {  	s5 =	simm.s32 @!p0 $0x5;
	[sflag:s19] =	ssyncadd.s32 $0xFFFFE000  }
0x2f: {  	_ =	swait.ge @!p0 [sflag:s5], $0x2000  }
0x30: {  	[sflag:s5] =	ssyncset.done @!p0 $0x0  }
0x31: {  	s15 =	simm.s32 $0x6440;
	[sflag:s5] =	ssyncadd.s32 @!p0 $0xFFFFE000  }
0x32: {  	v0 =	vld [tilespmem:s15+$0xFFFFFFC0];
	_ =	sdelay $0x4  }
0x33: {  	v0 =	vmul.f32 $8.000000000e+00, v0  }
0x34: {  	s17 =	simm.s32 $0xE440  }
0x35: {  	[tilespmem:s17+$0xFFFFFFC0] =	vst v0  }
0x36: {  	v0 =	vld [tilespmem:s15+$0xFFFFFFD0];
	_ =	sdelay $0x4  }
0x37: {  	v0 =	vmul.f32 $8.000000000e+00, v0;
	_ =	sdelay $0x1  }
0x38: {  	[tilespmem:s17+$0xFFFFFFD0] =	vst v0  }
0x39: {  	v0 =	vld [tilespmem:s15+$0xFFFFFFE0];
	_ =	sdelay $0x4  }
0x3a: {  	v0 =	vmul.f32 $8.000000000e+00, v0;
	_ =	sdelay $0x1  }
0x3b: {  	[tilespmem:s17+$0xFFFFFFE0] =	vst v0  }
0x3c: {  	v0 =	vld [tilespmem:s15+$0xFFFFFFF0];
	_ =	sdelay $0x4  }
0x3d: {  	v0 =	vmul.f32 $8.000000000e+00, v0;
	_ =	sdelay $0x1  }
0x3e: {  	[tilespmem:s17+$0xFFFFFFF0] =	vst v0  }
0x3f: {  	v0 =	vld [tilespmem:s15+$0x0];
	_ =	sdelay $0x4  }
0x40: {  	v0 =	vmul.f32 $8.000000000e+00, v0;
	_ =	sdelay $0x1  }
0x41: {  	[tilespmem:s17+$0x0] =	vst v0  }
0x42: {  	v0 =	vld [tilespmem:s15+$0x10];
	_ =	sdelay $0x4  }
0x43: {  	v0 =	vmul.f32 $8.000000000e+00, v0;
	_ =	sdelay $0x1  }
0x44: {  	[tilespmem:s17+$0x10] =	vst v0  }
0x45: {  	v0 =	vld [tilespmem:s15+$0x20];
	_ =	sdelay $0x4  }
0x46: {  	v0 =	vmul.f32 $8.000000000e+00, v0;
	_ =	sdelay $0x1  }
0x47: {  	[tilespmem:s17+$0x20] =	vst v0  }
0x48: {  	v0 =	vld [tilespmem:s15+$0x30];
	_ =	sdelay $0x4  }
0x49: {  	v0 =	vmul.f32 $8.000000000e+00, v0;
	_ =	sdelay $0x1  }
0x4a: {  	s10 =	simm.s32 $0x64C0;
	s5 =	simm.s32 $0x0;
	s15 =	sshll.u32 s0, $0xB;
	[tilespmem:s17+$0x30] =	vst v0  }
.LBB2_3:
0x4b: {  	v0 =	vld [tilespmem:s10+$0xFFFFFFC0];
	s5 =	sadd.s32 $0x2, s5  }
0x4c: {  	p1 =	slt.u32 s5, $0x7E;
	_ =	sdelay $0x3  }
0x4d: {  	v0 =	vmul.f32 $8.000000000e+00, v0  }
0x4e: {  	s17 =	sadd.s32 $0x80, s17  }
0x4f: {  	[tilespmem:s17+$0xFFFFFFC0] =	vst v0  }
0x50: {  	v0 =	vld [tilespmem:s10+$0xFFFFFFD0];
	_ =	sdelay $0x4  }
0x51: {  	v0 =	vmul.f32 $8.000000000e+00, v0;
	_ =	sdelay $0x1  }
0x52: {  	[tilespmem:s17+$0xFFFFFFD0] =	vst v0  }
0x53: {  	v0 =	vld [tilespmem:s10+$0xFFFFFFE0];
	_ =	sdelay $0x4  }
0x54: {  	v0 =	vmul.f32 $8.000000000e+00, v0;
	_ =	sdelay $0x1  }
0x55: {  	[tilespmem:s17+$0xFFFFFFE0] =	vst v0  }
0x56: {  	v0 =	vld [tilespmem:s10+$0xFFFFFFF0];
	_ =	sdelay $0x4  }
0x57: {  	v0 =	vmul.f32 $8.000000000e+00, v0;
	_ =	sdelay $0x1  }
0x58: {  	[tilespmem:s17+$0xFFFFFFF0] =	vst v0  }
0x59: {  	v0 =	vld [tilespmem:s10+$0x0];
	_ =	sdelay $0x4  }
0x5a: {  	v0 =	vmul.f32 $8.000000000e+00, v0;
	_ =	sdelay $0x1  }
0x5b: {  	[tilespmem:s17+$0x0] =	vst v0  }
0x5c: {  	v0 =	vld [tilespmem:s10+$0x10];
	_ =	sdelay $0x4  }
0x5d: {  	v0 =	vmul.f32 $8.000000000e+00, v0;
	_ =	sdelay $0x1  }
0x5e: {  	[tilespmem:s17+$0x10] =	vst v0  }
0x5f: {  	v0 =	vld [tilespmem:s10+$0x20];
	_ =	sdelay $0x4  }
0x60: {  	v0 =	vmul.f32 $8.000000000e+00, v0;
	_ =	sdelay $0x1  }
0x61: {  	[tilespmem:s17+$0x20] =	vst v0  }
0x62: {  	v0 =	vld [tilespmem:s10+$0x30];
	_ =	sdelay $0x2  }
.Ltmp2:
0x63: {  	(pc) =	sbr.rel @p1 .LBB2_3-.Ltmp2, $3  }
0x64: {  	_ = 	snop  }
0x65: {  	v0 =	vmul.f32 $8.000000000e+00, v0;
	_ =	sdelay $0x1  }
0x66: {  	s10 =	sadd.s32 $0x80, s10;
	[tilespmem:s17+$0x30] =	vst v0  }
0x67: {  	p1 =	sne.s32 s0, $0x31  }
.Ltmp3:
0x68: {  	s5 =	sshll.u32 s0, $0xF;
	(pc) =	sbr.rel @p1 .LBB2_6-.Ltmp3, $4  }
0x69: {  	s5 =	sadd.s32 s6, s5  }
0x6a: {  	s5 =	sshrl.u32 s5, $0x3  }
0x6b: {  	s5 =	sadd.s32 s2, s5  }
0x6c: {  	[hbm4b:s5+s3] =	stream.linear.scatter [tilespmem:s20], [sflag:$0x5], $0x2000, $0x38;
	[tilespmem:$0x16400] =	vst v63  }
.Ltmp4:
0x6d: {  	(pc) =	sbr.rel .LBB2_7-.Ltmp4, $4  }
0x6e: {  	_ = 	snop  }
0x6f: {  	_ =	swait.ge [sflag:s21], $0x2000  }
0x70: {  	[sflag:s21] =	ssyncset.done $0x0  }
0x71: {  	[sflag:s21] =	ssyncadd.s32 $0xFFFFE000  }
.LBB2_6:
0x72: {  	s5 =	sshrl.u32 s15, $0x2  }
.Ltmp5:
0x73: {  	s5 =	sadd.s32 $0x200, s5;
	(pc) =	sbr.rel @p0 .LBB2_8-.Ltmp5, $4  }
0x74: {  	[tilespmem:s13], [sflag:$0x1] =	stream.indirect.gather [hbm4b:s4+s12], $0x40, s5, s12, $0xb8;
	[tilespmem:$0x16400] =	vst v63  }
0x75: {  	_ =	swait.ge [sflag:s21], $0x2000  }
0x76: {  	[sflag:s21] =	ssyncset.done $0x0  }
0x77: {  	[sflag:s21] =	ssyncadd.s32 $0xFFFFE000  }
.LBB2_7:
0x78: {  	_ =	swait.ge [sflag:s22], $0x2000  }
0x79: {  	[sflag:s22] =	ssyncset.done $0x0  }
0x7a: {  	[sflag:s22] =	ssyncadd.s32 $0xFFFFE000  }
.LBB2_8:
0x7b: {  	s5 =	simm.s32 $0x8440  }
0x7c: {  	v0 =	vld [tilespmem:s5+$0xFFFFFFC0];
	_ =	sdelay $0x4  }
0x7d: {  	v0 =	vmul.f32 $8.000000000e+00, v0  }
0x7e: {  	s17 =	simm.s32 $0x10440  }
0x7f: {  	[tilespmem:s17+$0xFFFFFFC0] =	vst v0  }
0x80: {  	v0 =	vld [tilespmem:s5+$0xFFFFFFD0];
	_ =	sdelay $0x4  }
0x81: {  	v0 =	vmul.f32 $8.000000000e+00, v0;
	_ =	sdelay $0x1  }
0x82: {  	[tilespmem:s17+$0xFFFFFFD0] =	vst v0  }
0x83: {  	v0 =	vld [tilespmem:s5+$0xFFFFFFE0];
	_ =	sdelay $0x4  }
0x84: {  	v0 =	vmul.f32 $8.000000000e+00, v0;
	_ =	sdelay $0x1  }
0x85: {  	[tilespmem:s17+$0xFFFFFFE0] =	vst v0  }
0x86: {  	v0 =	vld [tilespmem:s5+$0xFFFFFFF0];
	_ =	sdelay $0x4  }
0x87: {  	v0 =	vmul.f32 $8.000000000e+00, v0;
	_ =	sdelay $0x1  }
0x88: {  	[tilespmem:s17+$0xFFFFFFF0] =	vst v0  }
0x89: {  	v0 =	vld [tilespmem:s5+$0x0];
	_ =	sdelay $0x4  }
0x8a: {  	v0 =	vmul.f32 $8.000000000e+00, v0;
	_ =	sdelay $0x1  }
0x8b: {  	[tilespmem:s17+$0x0] =	vst v0  }
0x8c: {  	v0 =	vld [tilespmem:s5+$0x10];
	_ =	sdelay $0x4  }
0x8d: {  	v0 =	vmul.f32 $8.000000000e+00, v0;
	_ =	sdelay $0x1  }
0x8e: {  	[tilespmem:s17+$0x10] =	vst v0  }
0x8f: {  	v0 =	vld [tilespmem:s5+$0x20];
	_ =	sdelay $0x4  }
0x90: {  	v0 =	vmul.f32 $8.000000000e+00, v0;
	_ =	sdelay $0x1  }
0x91: {  	[tilespmem:s17+$0x20] =	vst v0  }
0x92: {  	v0 =	vld [tilespmem:s5+$0x30];
	_ =	sdelay $0x4  }
0x93: {  	v0 =	vmul.f32 $8.000000000e+00, v0;
	_ =	sdelay $0x1  }
0x94: {  	s10 =	simm.s32 $0x84C0;
	s5 =	simm.s32 $0x0;
	[tilespmem:s17+$0x30] =	vst v0  }
.LBB2_9:
0x95: {  	v0 =	vld [tilespmem:s10+$0xFFFFFFC0];
	s5 =	sadd.s32 $0x2, s5  }
0x96: {  	p2 =	slt.u32 s5, $0x7E;
	_ =	sdelay $0x3  }
0x97: {  	v0 =	vmul.f32 $8.000000000e+00, v0  }
0x98: {  	s17 =	sadd.s32 $0x80, s17  }
0x99: {  	[tilespmem:s17+$0xFFFFFFC0] =	vst v0  }
0x9a: {  	v0 =	vld [tilespmem:s10+$0xFFFFFFD0];
	_ =	sdelay $0x4  }
0x9b: {  	v0 =	vmul.f32 $8.000000000e+00, v0;
	_ =	sdelay $0x1  }
0x9c: {  	[tilespmem:s17+$0xFFFFFFD0] =	vst v0  }
0x9d: {  	v0 =	vld [tilespmem:s10+$0xFFFFFFE0];
	_ =	sdelay $0x4  }
0x9e: {  	v0 =	vmul.f32 $8.000000000e+00, v0;
	_ =	sdelay $0x1  }
0x9f: {  	[tilespmem:s17+$0xFFFFFFE0] =	vst v0  }
0xa0: {  	v0 =	vld [tilespmem:s10+$0xFFFFFFF0];
	_ =	sdelay $0x4  }
0xa1: {  	v0 =	vmul.f32 $8.000000000e+00, v0;
	_ =	sdelay $0x1  }
0xa2: {  	[tilespmem:s17+$0xFFFFFFF0] =	vst v0  }
0xa3: {  	v0 =	vld [tilespmem:s10+$0x0];
	_ =	sdelay $0x4  }
0xa4: {  	v0 =	vmul.f32 $8.000000000e+00, v0;
	_ =	sdelay $0x1  }
0xa5: {  	[tilespmem:s17+$0x0] =	vst v0  }
0xa6: {  	v0 =	vld [tilespmem:s10+$0x10];
	_ =	sdelay $0x4  }
0xa7: {  	v0 =	vmul.f32 $8.000000000e+00, v0;
	_ =	sdelay $0x1  }
0xa8: {  	[tilespmem:s17+$0x10] =	vst v0  }
0xa9: {  	v0 =	vld [tilespmem:s10+$0x20];
	_ =	sdelay $0x4  }
0xaa: {  	v0 =	vmul.f32 $8.000000000e+00, v0;
	_ =	sdelay $0x1  }
0xab: {  	[tilespmem:s17+$0x20] =	vst v0  }
0xac: {  	v0 =	vld [tilespmem:s10+$0x30];
	_ =	sdelay $0x2  }
.Ltmp6:
0xad: {  	(pc) =	sbr.rel @p2 .LBB2_9-.Ltmp6, $3  }
0xae: {  	_ = 	snop  }
0xaf: {  	v0 =	vmul.f32 $8.000000000e+00, v0;
	_ =	sdelay $0x1  }
0xb0: {  	s10 =	sadd.s32 $0x80, s10;
	[tilespmem:s17+$0x30] =	vst v0  }
0xb1: {  	s17 =	sshll.u32 s0, $0x9  }
.Ltmp7:
0xb2: {  	s5 =	sadd.s32 s17, s7;
	(pc) =	sbr.rel @p1 .LBB2_12-.Ltmp7, $4  }
0xb3: {  	s5 =	sshll.u32 s5, $0x3  }
0xb4: {  	s5 =	sand.u32 $0x1FFFF400, s5  }
0xb5: {  	s5 =	sadd.s32 s2, s5  }
0xb6: {  	[hbm4b:s5+s3] =	stream.linear.scatter [tilespmem:s23], [sflag:$0x6], $0x2000, $0x38;
	[tilespmem:$0x16400] =	vst v63  }
.Ltmp8:
0xb7: {  	(pc) =	sbr.rel .LBB2_13-.Ltmp8, $4  }
0xb8: {  	_ = 	snop  }
0xb9: {  	_ =	swait.ge [sflag:s24], $0x2000  }
0xba: {  	[sflag:s24] =	ssyncset.done $0x0  }
0xbb: {  	[sflag:s24] =	ssyncadd.s32 $0xFFFFE000  }
.LBB2_12:
0xbc: {  	s5 =	sshrl.u32 s15, $0x2  }
.Ltmp9:
0xbd: {  	s5 =	sadd.s32 $0x280, s5;
	(pc) =	sbr.rel @p0 .LBB2_14-.Ltmp9, $4  }
0xbe: {  	[tilespmem:s14], [sflag:$0x2] =	stream.indirect.gather [hbm4b:s4+s12], $0x40, s5, s12, $0xb8;
	[tilespmem:$0x16400] =	vst v63  }
0xbf: {  	_ =	swait.ge [sflag:s24], $0x2000  }
0xc0: {  	[sflag:s24] =	ssyncset.done $0x0  }
0xc1: {  	[sflag:s24] =	ssyncadd.s32 $0xFFFFE000  }
.LBB2_13:
0xc2: {  	_ =	swait.ge [sflag:s25], $0x2000  }
0xc3: {  	[sflag:s25] =	ssyncset.done $0x0  }
0xc4: {  	[sflag:s25] =	ssyncadd.s32 $0xFFFFE000  }
.LBB2_14:
0xc5: {  	s10 =	simm.s32 $0xA440  }
0xc6: {  	v0 =	vld [tilespmem:s10+$0xFFFFFFC0];
	_ =	sdelay $0x4  }
0xc7: {  	v0 =	vmul.f32 $8.000000000e+00, v0  }
0xc8: {  	s5 =	simm.s32 $0x12440  }
0xc9: {  	[tilespmem:s5+$0xFFFFFFC0] =	vst v0  }
0xca: {  	v0 =	vld [tilespmem:s10+$0xFFFFFFD0];
	_ =	sdelay $0x4  }
0xcb: {  	v0 =	vmul.f32 $8.000000000e+00, v0;
	_ =	sdelay $0x1  }
0xcc: {  	[tilespmem:s5+$0xFFFFFFD0] =	vst v0  }
0xcd: {  	v0 =	vld [tilespmem:s10+$0xFFFFFFE0];
	_ =	sdelay $0x4  }
0xce: {  	v0 =	vmul.f32 $8.000000000e+00, v0;
	_ =	sdelay $0x1  }
0xcf: {  	[tilespmem:s5+$0xFFFFFFE0] =	vst v0  }
0xd0: {  	v0 =	vld [tilespmem:s10+$0xFFFFFFF0];
	_ =	sdelay $0x4  }
0xd1: {  	v0 =	vmul.f32 $8.000000000e+00, v0;
	_ =	sdelay $0x1  }
0xd2: {  	[tilespmem:s5+$0xFFFFFFF0] =	vst v0  }
0xd3: {  	v0 =	vld [tilespmem:s10+$0x0];
	_ =	sdelay $0x4  }
0xd4: {  	v0 =	vmul.f32 $8.000000000e+00, v0;
	_ =	sdelay $0x1  }
0xd5: {  	[tilespmem:s5+$0x0] =	vst v0  }
0xd6: {  	v0 =	vld [tilespmem:s10+$0x10];
	_ =	sdelay $0x4  }
0xd7: {  	v0 =	vmul.f32 $8.000000000e+00, v0;
	_ =	sdelay $0x1  }
0xd8: {  	[tilespmem:s5+$0x10] =	vst v0  }
0xd9: {  	v0 =	vld [tilespmem:s10+$0x20];
	_ =	sdelay $0x4  }
0xda: {  	v0 =	vmul.f32 $8.000000000e+00, v0;
	_ =	sdelay $0x1  }
0xdb: {  	[tilespmem:s5+$0x20] =	vst v0  }
0xdc: {  	v0 =	vld [tilespmem:s10+$0x30];
	_ =	sdelay $0x4  }
0xdd: {  	v0 =	vmul.f32 $8.000000000e+00, v0;
	_ =	sdelay $0x1  }
0xde: {  	s11 =	simm.s32 $0xA4C0;
	s10 =	simm.s32 $0x0;
	[tilespmem:s5+$0x30] =	vst v0  }
.LBB2_15:
0xdf: {  	v0 =	vld [tilespmem:s11+$0xFFFFFFC0];
	s10 =	sadd.s32 $0x2, s10  }
0xe0: {  	p2 =	slt.u32 s10, $0x7E;
	_ =	sdelay $0x3  }
0xe1: {  	v0 =	vmul.f32 $8.000000000e+00, v0  }
0xe2: {  	s5 =	sadd.s32 $0x80, s5  }
0xe3: {  	[tilespmem:s5+$0xFFFFFFC0] =	vst v0  }
0xe4: {  	v0 =	vld [tilespmem:s11+$0xFFFFFFD0];
	_ =	sdelay $0x4  }
0xe5: {  	v0 =	vmul.f32 $8.000000000e+00, v0;
	_ =	sdelay $0x1  }
0xe6: {  	[tilespmem:s5+$0xFFFFFFD0] =	vst v0  }
0xe7: {  	v0 =	vld [tilespmem:s11+$0xFFFFFFE0];
	_ =	sdelay $0x4  }
0xe8: {  	v0 =	vmul.f32 $8.000000000e+00, v0;
	_ =	sdelay $0x1  }
0xe9: {  	[tilespmem:s5+$0xFFFFFFE0] =	vst v0  }
0xea: {  	v0 =	vld [tilespmem:s11+$0xFFFFFFF0];
	_ =	sdelay $0x4  }
0xeb: {  	v0 =	vmul.f32 $8.000000000e+00, v0;
	_ =	sdelay $0x1  }
0xec: {  	[tilespmem:s5+$0xFFFFFFF0] =	vst v0  }
0xed: {  	v0 =	vld [tilespmem:s11+$0x0];
	_ =	sdelay $0x4  }
0xee: {  	v0 =	vmul.f32 $8.000000000e+00, v0;
	_ =	sdelay $0x1  }
0xef: {  	[tilespmem:s5+$0x0] =	vst v0  }
0xf0: {  	v0 =	vld [tilespmem:s11+$0x10];
	_ =	sdelay $0x4  }
0xf1: {  	v0 =	vmul.f32 $8.000000000e+00, v0;
	_ =	sdelay $0x1  }
0xf2: {  	[tilespmem:s5+$0x10] =	vst v0  }
0xf3: {  	v0 =	vld [tilespmem:s11+$0x20];
	_ =	sdelay $0x4  }
0xf4: {  	v0 =	vmul.f32 $8.000000000e+00, v0;
	_ =	sdelay $0x1  }
0xf5: {  	[tilespmem:s5+$0x20] =	vst v0  }
0xf6: {  	v0 =	vld [tilespmem:s11+$0x30];
	_ =	sdelay $0x2  }
.Ltmp10:
0xf7: {  	(pc) =	sbr.rel @p2 .LBB2_15-.Ltmp10, $3  }
0xf8: {  	_ = 	snop  }
0xf9: {  	v0 =	vmul.f32 $8.000000000e+00, v0;
	_ =	sdelay $0x1  }
0xfa: {  	s11 =	sadd.s32 $0x80, s11;
	[tilespmem:s5+$0x30] =	vst v0  }
.Ltmp11:
0xfb: {  	s5 =	sadd.s32 s17, s8;
	(pc) =	sbr.rel @p1 .LBB2_18-.Ltmp11, $4  }
0xfc: {  	s5 =	sshll.u32 s5, $0x3  }
0xfd: {  	s5 =	sand.u32 $0x1FFFF800, s5  }
0xfe: {  	s5 =	sadd.s32 s2, s5  }
0xff: {  	[hbm4b:s5+s3] =	stream.linear.scatter [tilespmem:s26], [sflag:$0x7], $0x2000, $0x38;
	[tilespmem:$0x16400] =	vst v63  }
.Ltmp12:
0x100: {  	(pc) =	sbr.rel .LBB2_19-.Ltmp12, $4  }
0x101: {  	_ = 	snop  }
0x102: {  	_ =	swait.ge [sflag:s28], $0x2000  }
0x103: {  	[sflag:s28] =	ssyncset.done $0x0  }
0x104: {  	[sflag:s28] =	ssyncadd.s32 $0xFFFFE000  }
.LBB2_18:
0x105: {  	s5 =	sshrl.u32 s15, $0x2  }
.Ltmp13:
0x106: {  	s5 =	sadd.s32 $0x300, s5;
	(pc) =	sbr.rel @p0 .LBB2_20-.Ltmp13, $4  }
0x107: {  	[tilespmem:s16], [sflag:$0x3] =	stream.indirect.gather [hbm4b:s4+s12], $0x40, s5, s12, $0xb8;
	[tilespmem:$0x16400] =	vst v63  }
0x108: {  	_ =	swait.ge [sflag:s28], $0x2000  }
0x109: {  	[sflag:s28] =	ssyncset.done $0x0  }
0x10a: {  	[sflag:s28] =	ssyncadd.s32 $0xFFFFE000  }
.LBB2_19:
0x10b: {  	_ =	swait.ge [sflag:s29], $0x2000  }
0x10c: {  	[sflag:s29] =	ssyncset.done $0x0  }
0x10d: {  	[sflag:s29] =	ssyncadd.s32 $0xFFFFE000  }
.LBB2_20:
0x10e: {  	s10 =	simm.s32 $0xC440  }
0x10f: {  	v0 =	vld [tilespmem:s10+$0xFFFFFFC0];
	_ =	sdelay $0x4  }
0x110: {  	v0 =	vmul.f32 $8.000000000e+00, v0  }
0x111: {  	s5 =	simm.s32 $0x14440  }
0x112: {  	[tilespmem:s5+$0xFFFFFFC0] =	vst v0  }
0x113: {  	v0 =	vld [tilespmem:s10+$0xFFFFFFD0];
	_ =	sdelay $0x4  }
0x114: {  	v0 =	vmul.f32 $8.000000000e+00, v0;
	_ =	sdelay $0x1  }
0x115: {  	[tilespmem:s5+$0xFFFFFFD0] =	vst v0  }
0x116: {  	v0 =	vld [tilespmem:s10+$0xFFFFFFE0];
	_ =	sdelay $0x4  }
0x117: {  	v0 =	vmul.f32 $8.000000000e+00, v0;
	_ =	sdelay $0x1  }
0x118: {  	[tilespmem:s5+$0xFFFFFFE0] =	vst v0  }
0x119: {  	v0 =	vld [tilespmem:s10+$0xFFFFFFF0];
	_ =	sdelay $0x4  }
0x11a: {  	v0 =	vmul.f32 $8.000000000e+00, v0;
	_ =	sdelay $0x1  }
0x11b: {  	[tilespmem:s5+$0xFFFFFFF0] =	vst v0  }
0x11c: {  	v0 =	vld [tilespmem:s10+$0x0];
	_ =	sdelay $0x4  }
0x11d: {  	v0 =	vmul.f32 $8.000000000e+00, v0;
	_ =	sdelay $0x1  }
0x11e: {  	[tilespmem:s5+$0x0] =	vst v0  }
0x11f: {  	v0 =	vld [tilespmem:s10+$0x10];
	_ =	sdelay $0x4  }
0x120: {  	v0 =	vmul.f32 $8.000000000e+00, v0;
	_ =	sdelay $0x1  }
0x121: {  	[tilespmem:s5+$0x10] =	vst v0  }
0x122: {  	v0 =	vld [tilespmem:s10+$0x20];
	_ =	sdelay $0x4  }
0x123: {  	v0 =	vmul.f32 $8.000000000e+00, v0;
	_ =	sdelay $0x1  }
0x124: {  	[tilespmem:s5+$0x20] =	vst v0  }
0x125: {  	v0 =	vld [tilespmem:s10+$0x30];
	_ =	sdelay $0x4  }
0x126: {  	v0 =	vmul.f32 $8.000000000e+00, v0;
	_ =	sdelay $0x1  }
0x127: {  	s11 =	simm.s32 $0xC4C0;
	s10 =	simm.s32 $0x0;
	[tilespmem:s5+$0x30] =	vst v0  }
.LBB2_21:
0x128: {  	v0 =	vld [tilespmem:s11+$0xFFFFFFC0];
	s10 =	sadd.s32 $0x2, s10  }
0x129: {  	p0 =	slt.u32 s10, $0x7E;
	_ =	sdelay $0x3  }
0x12a: {  	v0 =	vmul.f32 $8.000000000e+00, v0  }
0x12b: {  	s5 =	sadd.s32 $0x80, s5  }
0x12c: {  	[tilespmem:s5+$0xFFFFFFC0] =	vst v0  }
0x12d: {  	v0 =	vld [tilespmem:s11+$0xFFFFFFD0];
	_ =	sdelay $0x4  }
0x12e: {  	v0 =	vmul.f32 $8.000000000e+00, v0;
	_ =	sdelay $0x1  }
0x12f: {  	[tilespmem:s5+$0xFFFFFFD0] =	vst v0  }
0x130: {  	v0 =	vld [tilespmem:s11+$0xFFFFFFE0];
	_ =	sdelay $0x4  }
0x131: {  	v0 =	vmul.f32 $8.000000000e+00, v0;
	_ =	sdelay $0x1  }
0x132: {  	[tilespmem:s5+$0xFFFFFFE0] =	vst v0  }
0x133: {  	v0 =	vld [tilespmem:s11+$0xFFFFFFF0];
	_ =	sdelay $0x4  }
0x134: {  	v0 =	vmul.f32 $8.000000000e+00, v0;
	_ =	sdelay $0x1  }
0x135: {  	[tilespmem:s5+$0xFFFFFFF0] =	vst v0  }
0x136: {  	v0 =	vld [tilespmem:s11+$0x0];
	_ =	sdelay $0x4  }
0x137: {  	v0 =	vmul.f32 $8.000000000e+00, v0;
	_ =	sdelay $0x1  }
0x138: {  	[tilespmem:s5+$0x0] =	vst v0  }
0x139: {  	v0 =	vld [tilespmem:s11+$0x10];
	_ =	sdelay $0x4  }
0x13a: {  	v0 =	vmul.f32 $8.000000000e+00, v0;
	_ =	sdelay $0x1  }
0x13b: {  	[tilespmem:s5+$0x10] =	vst v0  }
0x13c: {  	v0 =	vld [tilespmem:s11+$0x20];
	_ =	sdelay $0x4  }
0x13d: {  	v0 =	vmul.f32 $8.000000000e+00, v0;
	_ =	sdelay $0x1  }
0x13e: {  	[tilespmem:s5+$0x20] =	vst v0  }
0x13f: {  	v0 =	vld [tilespmem:s11+$0x30];
	_ =	sdelay $0x2  }
.Ltmp14:
0x140: {  	(pc) =	sbr.rel @p0 .LBB2_21-.Ltmp14, $3  }
0x141: {  	_ = 	snop  }
0x142: {  	v0 =	vmul.f32 $8.000000000e+00, v0;
	_ =	sdelay $0x1  }
0x143: {  	s11 =	sadd.s32 $0x80, s11;
	[tilespmem:s5+$0x30] =	vst v0  }
0x144: {  	p0 =	seq.s32 s0, $0x31  }
.Ltmp15:
0x145: {  	s5 =	sadd.s32 s17, s9;
	(pc) =	sbr.rel @p0 .LBB2_24-.Ltmp15, $4  }
0x146: {  	s5 =	sshll.u32 s5, $0x3  }
0x147: {  	s5 =	sand.u32 $0x1FFFFC00, s5  }
0x148: {  	s5 =	sadd.s32 s2, s5  }
0x149: {  	[hbm4b:s5+s3] =	stream.linear.scatter [tilespmem:s30], [sflag:$0x8], $0x2000, $0x38;
	[tilespmem:$0x16400] =	vst v63  }
.Ltmp16:
0x14a: {  	(pc) =	sbr.rel .LBB2_2-.Ltmp16, $4  }
0x14b: {  	_ = 	snop  }
0x14c: {  	s5 =	sshrl.u32 s15, $0x2  }
0x14d: {  	s0 =	sadd.s32 $0x1, s0;
	s5 =	sadd.s32 $0x380, s5  }
0x14e: {  	[tilespmem:s18], [sflag:$0x4] =	stream.indirect.gather [hbm4b:s4+s12], $0x40, s5, s12, $0xb8;
	[tilespmem:$0x16400] =	vst v63  }
.LBB2_25:
0x14f: {  	_ =	sfence.sel $0x180000  }
0x150: {  	[bflag:$0x0] =	sbarrier.arrive $0xFFFF  }
0x151: {  	_ =	strace $0x90000047  }
0x152: {  	s0 =	stileid.u32;
	[bflag:$0x2] =	sbarrier.arrive $0xFFFF  }
0x153: {  	p0 =	sne.s32 s0, $0x0;
	s0 =	rddreg [dreg:$0x2]  }
0x154: {  	s0 =	sadd.s32 @!p0 $0x100000, s0  }
0x155: {  	[sflag:s0] =	ssyncadd.tile.s32 @!p0 $0x1;
	_ =	shalt  }
.Lfunc_end2:
_tile_overlayer_lowered:
.L_overlay_start_2:
0x156: {  	(tag) =	ssettag $0x2  }
0x157: {  	s0 =	rddreg [dreg:$0x0];
	s2 =	stileid.u32  }
0x158: {  	s1 =	rddreg [dreg:$0x1];
	p0 =	sne.s32 s2, $0x0  }
0x159: {  	s3 =	rddreg [dreg:$0x2];
	[bflag:$0x3] =	sbarrier.arrive $0xFFFF;
	s2 =	simm.s32 @!p0 $0x1C09  }
0x15a: {  	[timem:s3], [sflag:s2] =	dma.local @!p0 [hbm:s0], s1  }
0x15b: {  	s0 =	simm.s32 @!p0 $0x9  }
0x15c: {  	_ =	swait.ge @!p0 [sflag:s0], s1  }
0x15d: {  	s1 =	ssub.s32 @!p0 $0x0, s1;
	[sflag:s0] =	ssyncset.done @!p0 $0x0  }
0x15e: {  	[sflag:s0] =	ssyncadd.s32 @!p0 s1  }
0x15f: {  	[bflag:$0x3] =	sbarrier.arrive $0xFFFF  }
0x160: {  	_ =	shalt  }

// kernel: sparse-core-data-format-call.cloned.1.call-start
scs
called_computation_lowered:
.L_overlay_start_0:
0x0: {  	s2 =	sld [smem:$0x3FD9]  }
0x1: {  	s3 =	sld [smem:$0x3FFE];
	_ =	sdelay $0x1  }
0x2: {  	s1 =	srdreg.scid  }
0x3: {  	s0 =	sand.u32 $0x1, s1  }
0x4: {  	s18 =	sshll.u32 s0, $0xA;
	s2 =	sadd.s32 s3, s2  }
0x5: {  	s2 =	sadd.s32 s2, s18  }
0x6: {  	[smem:$0x3FC6] =	sst s2  }
0x7: {  	_ = 	snop  }
0x8: {  	s2 =	sld [smem:$0x3FD0];
	(tm) =	ssettm $0x1  }
0x9: {  	s19 =	sld [smem:$0x3FFB];
	_ =	sdelay $0x3  }
0xa: {  	_ =	strace s19  }
0xb: {  	s3 =	sld [smem:$0x3FFC];
	_ =	sdelay $0x3  }
0xc: {  	_ =	strace s3  }
0xd: {  	s3 =	sld [smem:$0x3FFD];
	_ =	sdelay $0x3  }
0xe: {  	_ =	strace s3  }
0xf: {  	_ =	strace $0x8FFFFFFF  }
0x10: {  	s20 =	sld [smem:$0x3FDB];
	_ =	sdelay $0x1  }
0x11: {  	s4 =	simm.s32 $_scs_section_size  }
0x12: {  	s5 =	simm.s32 $_size__tile_overlayer_lowered;
	s6 =	simm.s32 $_tile_overlayer_lowered  }
0x13: {  	s23 =	simm.s32 $0x1BFF;
	s22 =	sshll.u32 s6, $0x1;
	s3 =	sadd.s32 s4, s20  }
0x14: {  	s7 =	simm.s32 $0x0;
	s21 =	sshll.u32 s5, $0x1;
	s5 =	sadd.s32 s22, s3  }
0x15: {  	[timem:s7], [sflag:s23] =	dma.local [hbm:s5], s21  }
0x16: {  	_ =	swait.ge [sflag:s23], s21  }
0x17: {  	s4 =	ssub.s32 $0x0, s21;
	[sflag:s23] =	ssyncset.done $0x0  }
0x18: {  	[sflag:s23] =	ssyncadd.s32 s4;
	_ =	sdelay $0x1  }
0x19: {  	s24 =	simm.s32 $0x1B8B  }
0x1a: {  	_ =	swait.ge [sflag:s24], $0x1  }
0x1b: {  	[sflag:s24] =	ssyncset.done $0x0  }
0x1c: {  	s26 =	simm.s32 $0x1B8E;
	s25 =	sld [smem:$0x3FFE];
	[sflag:s24] =	ssyncadd.s32 $0xFFFFFFFF  }
0x1d: {  	s27 =	simm.s32 $execute0_lowered;
	[smem:$0x3FD2] =	sst s26  }
0x1e: {  	s5 =	sshll.u32 s27, $0x1;
	_ =	strace $0x80000049;
	[dreg:$0x1] =	wrdreg $0xFFFFFFFF  }
0x1f: {  	s28 =	simm.s32 $_size_execute0_lowered;
	s3 =	sadd.s32 s3, s5;
	[dreg:$0x0] =	wrdreg $0x0  }
0x20: {  	s5 =	sshll.u32 s28, $0x1;
	[dreg:$0x2] =	wrdreg s3  }
0x21: {  	[dreg:$0x3] =	wrdreg s5  }
0x22: {  	[dreg:$0x4] =	wrdreg $0xC0  }
0x23: {  	_ =	task [dreg:s7], $0x5FFFF  }
0x24: {  	[dreg:$0x1] =	wrdreg $0xFFFFFFFF  }
0x25: {  	[dreg:$0x0] =	wrdreg $0x60  }
0x26: {  	[dreg:$0x2] =	wrdreg s25  }
0x27: {  	[dreg:$0x3] =	wrdreg s2  }
0x28: {  	[dreg:$0x4] =	wrdreg $0x9  }
0x29: {  	_ =	task.clear_ibuf [dreg:s7], $0x5FFFF;
	_ =	strace $0x90000049  }
0x2a: {  	s29 =	simm.s32 $0x9;
	_ =	strace $0x8000004B  }
0x2b: {  	_ =	swait.ge [sflag:s29], $0x1  }
0x2c: {  	[sflag:s29] =	ssyncadd.s32 $0xFFFFFFFF  }
0x2d: {  	_ =	strace $0x9000004B  }
0x2e: {  	_ =	sfence  }
0x2f: {  	s30 =	sld [smem:$0x0];
	_ =	sdelay $0x2  }
0x30: {  	s31 =	sshll.u32 s1, $0xD;
	s1 =	sshrl.u32 s1, $0x2  }
0x31: {  	s3 =	sand.u32 $0x4000, s31;
	s1 =	sadd.s32 s1, s30  }
0x32: {  	s0 =	sor.u32 s3, s0;
	s1 =	sshll.u32 s1, $0x11  }
0x33: {  	s0 =	sor.u32 s1, s0  }
0x34: {  	s0 =	sadd.s32 $0x8F2B, s0  }
0x35: {  	[sflag:s0] =	ssyncadd.remote.s32 $0x1  }
0x36: {  	_ =	sfence.sel $0xFFFF  }
0x37: {  	[dreg:$0x0] =	wrdreg $0xFFFFFFFF;
	(pc) =	sbr.abs _section_cstart, $3  }
0x38: {  	[dreg:$0x1] =	wrdreg $0xFFFFFFFF  }
0x39: {  	_ =	task.clear_ibuf [dreg:s7], $0x2FFFF;
	_ =	strace $0x9FFFFFFF  }
0x3a: {  	(tm) =	ssettm $0x7FFFFFFF  }
0x3b: {  	_ =	shalt  }
tec
execute0_lowered:
.L_overlay_start_1:
0x0: {  	(tag) =	ssettag $0x1  }
0x1: {  	s0 =	srdreg.scid  }
0x2: {  	s1 =	sshll.u32 s0, $0x4  }
0x3: {  	s0 =	stileid.u32;
	s1 =	sand.u32 $0x10, s1  }
0x4: {  	s1 =	sor.u32 s0, s1  }
0x5: {  	s6 =	rddreg [dreg:$0x0];
	s4 =	simm.s32 $0x1;
	s2 =	sshll.u32 s1, $0x7  }
0x6: {  	s7 =	simm.s32 $0x2;
	s12 =	simm.s32 $0x0;
	s1 =	ssub.s32 $0x1000, s2  }
0x7: {  	s8 =	simm.s32 $0x8000;
	s13 =	simm.s32 $0x0;
	s3 =	sand.u32 $0xF80, s1  }
0x8: {  	s9 =	simm.s32 $0x0;
	s5 =	sshrl.u32 s1, $0xC;
	p0 =	sne.s32 s3, $0x0  }
.Ltmp0:
0x9: {  	s1 =	rddreg [dreg:$0x2];
	s4 =	simm.s32 @!p0 $0x0;
	(pc) =	sbr.rel .LBB1_1-.Ltmp0, $4  }
0xa: {  	s11 =	simm.s32 $0x0;
	s3 =	rddreg [dreg:$0x1];
	s5 =	sadd.s32 s4, s5  }
0xb: {  	_ =	strace $0x8000004A;
	s4 =	simm.s32 $0x1;
	s5 =	smul.u32 $0xC8, s5  }
0xc: {  	s6 =	sadd.s32 $0xA00, s6;
	s10 =	smov.u32 s2;
	[sflag:s4] =	ssyncpa.u1 $0x0  }
0xd: {  	p0 =	por $0x0, $0x0;
	[sflag:s7] =	ssyncpa.u1 $0x0;
	s7 =	sor.u32 $0x1, s5  }
.LBB1_4:
0xe: {  	s16 =	sshll.u32 s13, $0x3;
	s17 =	sand.u32 $0x78, s13  }
0xf: {  	s30 =	sand.u32 $0x7E00, s13;
	s12 =	sshll.u32 s12, $0xF;
	s16 =	sand.u32 $0xC00, s16  }
0x10: {  	[tilespmem:s15+$0x810 ss:$0x81] =	vst.msk $0xffff, v2;
	s31 =	sand.u32 $0x7, s13;
	s16 =	sor.u32 s17, s16;
	s17 =	sadd.s32 s3, s30  }
0x11: {  	[tilespmem:s15+$0x1020 ss:$0x81] =	vst.msk $0xffff, v0;
	s13 =	sshll.u32 s31, $0x12;
	s12 =	sadd.s32 s12, s17;
	s16 =	sshrl.u32 s16, $0x3  }
0x12: {  	[tilespmem:s15+$0x0 ss:$0x81] =	vst.msk $0xffff, v1;
	s13 =	sor.u32 $0x400, s13;
	s12 =	sadd.s32 s16, s12  }
0x13: {  	[hbm4b:s12+s13] =	stream.strided.scatter [tilespmem:s14], [sflag:$0x2], $0x2000, s8, s13, $0x20;
	[tilespmem:$0x8080] =	vst v63  }
.LBB1_5:
0x14: {  	s14 =	sadd.s32 $0x1, s9  }
0x15: {  	s12 =	sadd.s32 $0x1000, s10;
	s16 =	smov.u32 s10;
	p2 =	sgt.s32 s14, $0xC7  }
0x16: {  	s16 =	smov.u32 @p2 s12  }
0x17: {  	s14 =	simm.s32 @p2 $0x0;
	p2 =	sgt.s32 s16, $0xFFF  }
0x18: {  	s16 =	smov.u32 @p2 s2;
	p2 =	sne.s32 s11, s7  }
.Ltmp1:
0x19: {  	p1 =	slt.u32 s11, $0x2;
	(pc) =	sbr.rel @!p2 .LBB1_6-.Ltmp1, $4  }
0x1a: {  	s15 =	simm.s32 @!p1 $0x2  }
0x1b: {  	s13 =	smov.u32 s10;
	p0 =	por !p0, !p0;
	_ =	swait.ge @!p1 [sflag:s15], $0x2000  }
0x1c: {  	s12 =	smov.u32 s9;
	[sflag:s15] =	ssyncset.done @!p1 $0x0;
	s9 =	smov.u32 s14  }
0x1d: {  	s11 =	sadd.s32 $0x1, s11;
	[sflag:s15] =	ssyncadd.s32 @!p1 $0xFFFFE000;
	s10 =	smov.u32 s16  }
.LBB1_1:
0x1e: {  	p1 =	sge.u32 s11, s5  }
0x1f: {  	s14 =	sand.u32 @!p1 $0x1FFFFFF, s9  }
0x20: {  	s15 =	smulhi.u32 @!p1 $0x147AE15, s14;
	_ =	sdelay $0x1  }
0x21: {  	s15 =	smul.u32 @!p1 $0xC8, s15  }
0x22: {  	s16 =	sxor.u32 @!p1 $0xFFFFFFFF, s11;
	s17 =	smul.u32 @!p1 $0xC80, s10  }
0x23: {  	s31 =	sadd.s32 $0xFFFFFFFF, s11;
	s16 =	sshll.u32 @!p1 s16, $0xD;
	s14 =	ssub.s32 @!p1 s14, s15  }
0x24: {  	s15 =	sand.u32 @!p1 $0x2000, s16;
	s16 =	sadd.s32 @!p1 s6, s17;
	s14 =	sshll.u32 @!p1 s14, $0x4  }
0x25: {  	s17 =	simm.s32 @!p1 $0x6400;
	s14 =	sadd.s32 @!p1 s14, s16;
	s16 =	simm.s32 @!p1 $0x40  }
0x26: {  	[tilespmem:s15], [sflag:$0x1] =	stream.strided.gather @!p1 [hbm4b:s14+s16], $0x2000, s17, s16, $0x38;
	[tilespmem:$0x8080] =	vst v63  }
0x27: {  	p1 =	sge.u32 s31, s5  }
.Ltmp2:
0x28: {  	_ = 	snop;
	(pc) =	sbr.rel @p1 .LBB1_5-.Ltmp2, $1  }
0x29: {  	_ =	sdelay $0x3  }
0x2a: {  	s14 =	simm.s32 $0x1  }
0x2b: {  	_ =	swait.ge [sflag:s4], $0x2000;
	s14 =	simm.s32 @!p0 $0x0  }
0x2c: {  	[sflag:s4] =	ssyncset.done $0x0;
	s15 =	sshll.u32 s14, $0xD  }
0x2d: {  	[sflag:s4] =	ssyncadd.s32 $0xFFFFE000;
	s18 =	sor.u32 $0x20, s15  }
0x2e: {  	s14 =	smul.u32 $0x8100, s14;
	v3 =	vld [tilespmem:s18+$0x10]  }
0x2f: {  	s30 =	sand.u32 $0x1, s11;
	v2 =	vld [tilespmem:s18+$0xFFFFFFF0]  }
0x30: {  	s15 =	smul.u32 $0x8100, s30;
	s14 =	sshrl.u32 s14, $0x2;
	v0 =	vld [tilespmem:s18+$0x0]  }
0x31: {  	v1 =	vld [tilespmem:s18+$0xFFFFFFE0];
	s16 =	sor.u32 $0x4000, s14  }
0x32: {  	s31 =	sshrl.u32 s15, $0x2;
	s15 =	sadd.s32 $0x0, s16  }
0x33: {  	s17 =	simm.s32 $0x4;
	s18 =	sadd.s32 $0x40, s18;
	s14 =	sor.u32 $0x4000, s31;
	[tilespmem:s15+$0x1830 ss:$0x81] =	vst.msk $0xffff, v3  }
.LBB1_3:
0x34: {  	v3 =	vld [tilespmem:s18+$0x10];
	p1 =	sne.s32 s17, $0x1FC;
	[tilespmem:s15+$0x810 ss:$0x81] =	vst.msk $0xffff, v2;
	s19 =	smov.u32 s17;
	s17 =	sadd.s32 $0x4, s17  }
.Ltmp3:
0x35: {  	v2 =	vld [tilespmem:s18+$0xFFFFFFF0];
	[tilespmem:s15+$0x1020 ss:$0x81] =	vst.msk $0xffff, v0;
	(pc) =	sbr.rel @p1 .LBB1_3-.Ltmp3, $4  }
0x36: {  	v0 =	vld [tilespmem:s18+$0x0];
	[tilespmem:s15+$0x0 ss:$0x81] =	vst.msk $0xffff, v1  }
0x37: {  	s15 =	sshra.s32 s19, $0x2;
	v1 =	vld [tilespmem:s18+$0xFFFFFFE0]  }
0x38: {  	s15 =	sadd.s32 s15, s16  }
0x39: {  	s18 =	sadd.s32 $0x40, s18;
	[tilespmem:s15+$0x1830 ss:$0x81] =	vst.msk $0xffff, v3  }
.Ltmp4:
0x3a: {  	_ = 	snop;
	(pc) =	sbr.rel .LBB1_4-.Ltmp4, $1  }
0x3b: {  	_ =	sdelay $0x3  }
.LBB1_6:
0x3c: {  	_ =	sfence.sel $0x180000  }
0x3d: {  	s2 =	simm.s32 $0x1;
	[bflag:$0x0] =	sbarrier.arrive $0xFFFF  }
0x3e: {  	s31 =	simm.s32 $0x2;
	[sflag:s2] =	ssyncpa.u1 $0x1  }
0x3f: {  	[sflag:s31] =	ssyncpa.u1 $0x1  }
0x40: {  	p0 =	sne.s32 s0, $0x0;
	_ =	strace $0x9000004A  }
0x41: {  	s0 =	sadd.s32 @!p0 $0x100000, s1;
	[bflag:$0x2] =	sbarrier.arrive $0xFFFF  }
0x42: {  	[sflag:s0] =	ssyncadd.tile.s32 @!p0 $0x1;
	_ =	shalt  }
.Lfunc_end1:
_tile_overlayer_lowered:
.L_overlay_start_2:
0x43: {  	(tag) =	ssettag $0x2  }
0x44: {  	s0 =	rddreg [dreg:$0x0];
	s2 =	stileid.u32  }
0x45: {  	s1 =	rddreg [dreg:$0x1];
	p0 =	sne.s32 s2, $0x0  }
0x46: {  	s3 =	rddreg [dreg:$0x2];
	[bflag:$0x3] =	sbarrier.arrive $0xFFFF;
	s2 =	simm.s32 @!p0 $0x1C01  }
0x47: {  	[timem:s3], [sflag:s2] =	dma.local @!p0 [hbm:s0], s1  }
0x48: {  	s0 =	simm.s32 @!p0 $0x1  }
0x49: {  	_ =	swait.ge @!p0 [sflag:s0], s1  }
0x4a: {  	s1 =	ssub.s32 @!p0 $0x0, s1;
	[sflag:s0] =	ssyncset.done @!p0 $0x0  }
0x4b: {  	[sflag:s0] =	ssyncadd.s32 @!p0 s1  }
0x4c: {  	[bflag:$0x3] =	sbarrier.arrive $0xFFFF  }
0x4d: {  	_ =	shalt  }

</sc_bundles>
